<compile_context>
chip_gen: v7x
topology: tpu7x:2x2x1
jax: 0.10.2.dev20260603
libtpu: 0.0.44.dev20260713+nightly
codegen_flags: <defaults>
</compile_context>

<pallas_src>
import functools

import jax
import jax.numpy as jnp
from jax import lax
from jax.experimental import pallas as pl
from jax.experimental.pallas import tpu as pltpu
from jax.experimental.pallas import tpu_sc as plsc

_B, _NPB = 4, 4096
_STRIDE, _NSAMPLE = 4, 16
_IN, _OUT = 256, 512
_MPB = _NPB // _STRIDE + 1
_N = _B * _NPB
_M = _B * _MPB


def _matmul_kernel(x_ref, p_ref, wf_ref, w3_ref, o_ref):
    o_ref[...] = (jnp.dot(x_ref[...], wf_ref[...],
                          preferred_element_type=jnp.float32)
                  + jnp.dot(p_ref[...], w3_ref[...],
                            preferred_element_type=jnp.float32))


def _dense_u(p, x, W):
    p8 = jnp.pad(p, ((0, 0), (0, 5)))
    w3 = jnp.pad(W[:3], ((0, 5), (0, 0)))
    return pl.pallas_call(
        _matmul_kernel,
        grid=(_N // 1024,),
        in_specs=[pl.BlockSpec((1024, _IN), lambda i: (i, 0)),
                  pl.BlockSpec((1024, 8), lambda i: (i, 0)),
                  pl.BlockSpec((_IN, _OUT), lambda i: (0, 0)),
                  pl.BlockSpec((8, _OUT), lambda i: (0, 0))],
        out_specs=pl.BlockSpec((1024, _OUT), lambda i: (i, 0)),
        out_shape=jax.ShapeDtypeStruct((_N, _OUT), jnp.float32),
    )(x, p8, W[3:], w3)


def _fps_kernel(px_ref, py_ref, pz_ref, idx_ref):
    px, py, pz = px_ref[...], py_ref[...], pz_ref[...]
    lane = jax.lax.broadcasted_iota(jnp.int32, (_B, _NPB), 1)
    out_lane = jax.lax.broadcasted_iota(jnp.int32, (_B, _MPB), 1)

    qx0, qy0, qz0 = px[:, 0:1], py[:, 0:1], pz[:, 0:1]
    d0 = ((px - qx0) ** 2 + (pz - qz0) ** 2) + (py - qy0) ** 2
    idx_ref[...] = jnp.zeros((_B, _MPB), jnp.int32)

    def step(i, dists):
        m = jnp.max(dists, axis=1, keepdims=True)
        cand = jnp.where(dists == m, lane, _NPB)
        nxt = jnp.min(cand, axis=1, keepdims=True)
        sel = lane == nxt
        qx = jnp.sum(jnp.where(sel, px, 0.0), axis=1, keepdims=True)
        qy = jnp.sum(jnp.where(sel, py, 0.0), axis=1, keepdims=True)
        qz = jnp.sum(jnp.where(sel, pz, 0.0), axis=1, keepdims=True)
        d = ((px - qx) ** 2 + (pz - qz) ** 2) + (py - qy) ** 2
        idx_ref[...] = jnp.where(out_lane == i, nxt, idx_ref[...])
        return jnp.minimum(dists, d)

    jax.lax.fori_loop(1, _MPB, step, d0, unroll=False)


def _fps_all(pb):
    px = pb[:, :, 0]
    py = pb[:, :, 1]
    pz = pb[:, :, 2]
    return pl.pallas_call(
        _fps_kernel,
        out_shape=jax.ShapeDtypeStruct((_B, _MPB), jnp.int32),
    )(px, py, pz)


_QR = 128
_MPAD = 1152


def _knn_kernel(qx_ref, qy_ref, qz_ref, px_ref, py_ref, pz_ref, nidx_ref):
    qx = qx_ref[0]
    qy = qy_ref[0]
    qz = qz_ref[0]
    px = px_ref[0]
    py = py_ref[0]
    pz = pz_ref[0]
    d = (qx - px) ** 2 + (qy - py) ** 2 + (qz - pz) ** 2
    lane = jax.lax.broadcasted_iota(jnp.int32, (_QR, _NPB), 1)
    big = jnp.int32(2 ** 30)
    for k in range(_NSAMPLE):
        m = jnp.min(d, axis=1, keepdims=True)
        nxt = jnp.min(jnp.where(d == m, lane, big), axis=1, keepdims=True)
        nidx_ref[0, :, k:k + 1] = nxt
        d = jnp.where(lane == nxt, jnp.inf, d)


def _knn_all(new_xyz_pad, pb):
    q = [new_xyz_pad[:, :, c:c + 1] for c in range(3)]
    pt = [pb[:, :, c].reshape(_B, 1, _NPB) for c in range(3)]
    qspec = pl.BlockSpec((1, _QR, 1), lambda b, i: (b, i, 0))
    pspec = pl.BlockSpec((1, 1, _NPB), lambda b, i: (b, 0, 0))
    return pl.pallas_call(
        _knn_kernel,
        grid=(_B, _MPAD // _QR),
        in_specs=[qspec, qspec, qspec, pspec, pspec, pspec],
        out_specs=pl.BlockSpec((1, _QR, _NSAMPLE), lambda b, i: (b, i, 0)),
        out_shape=jax.ShapeDtypeStruct((_B, _MPAD, _NSAMPLE), jnp.int32),
    )(*q, *pt)


_NW = 32
_RPW = 136
_MP = _NW * _RPW
_GRP = 8


def _sc_body(u_hbm, gidx_hbm, mx_hbm, mn_hbm, s1_hbm, s2_hbm,
             idx_v, rows_v, st_mx, st_mn, st_s1, st_s2, sem0, sem1):
    wid = lax.axis_index("s") * 2 + lax.axis_index("c")
    base = wid * _RPW
    pltpu.sync_copy(gidx_hbm.at[pl.ds(base, _RPW)], idx_v)
    pltpu.async_copy(u_hbm.at[idx_v.at[0]], rows_v.at[0], sem0)

    def compute(m, slot, sem):
        pltpu.make_async_copy(u_hbm.at[idx_v.at[m]], rows_v.at[slot], sem).wait()
        sm = m % _GRP

        def chunk(ci, _):
            off = ci * 16
            v = rows_v[slot, 0, pl.ds(off, 16)]
            mx = v
            mn = v
            s1 = v
            s2 = v * v
            for r in range(1, _NSAMPLE):
                v = rows_v[slot, r, pl.ds(off, 16)]
                mx = jnp.maximum(mx, v)
                mn = jnp.minimum(mn, v)
                s1 = s1 + v
                s2 = s2 + v * v
            st_mx[sm, pl.ds(off, 16)] = mx
            st_mn[sm, pl.ds(off, 16)] = mn
            st_s1[sm, pl.ds(off, 16)] = s1
            st_s2[sm, pl.ds(off, 16)] = s2
            return 0

        lax.fori_loop(0, _OUT // 16, chunk, 0)

        @pl.when(sm == _GRP - 1)
        def _flush():
            row0 = pl.multiple_of(base + m - (_GRP - 1), _GRP)
            pltpu.sync_copy(st_mx, mx_hbm.at[pl.ds(row0, _GRP)])
            pltpu.sync_copy(st_mn, mn_hbm.at[pl.ds(row0, _GRP)])
            pltpu.sync_copy(st_s1, s1_hbm.at[pl.ds(row0, _GRP)])
            pltpu.sync_copy(st_s2, s2_hbm.at[pl.ds(row0, _GRP)])

    def pair(g2, _):
        m0 = g2 * 2

        @pl.when(m0 + 1 < _RPW)
        def _start1():
            pltpu.async_copy(u_hbm.at[idx_v.at[m0 + 1]], rows_v.at[1], sem1)

        compute(m0, 0, sem0)

        @pl.when(m0 + 2 < _RPW)
        def _start0():
            pltpu.async_copy(u_hbm.at[idx_v.at[m0 + 2]], rows_v.at[0], sem0)

        compute(m0 + 1, 1, sem1)
        return 0

    lax.fori_loop(0, _RPW // 2, pair, 0)


def _sc_gather_reduce(u, gidx_pad):
    f32 = jnp.float32
    out = jax.ShapeDtypeStruct((_MP, _OUT), f32)
    run = functools.partial(
        pl.kernel,
        mesh=plsc.VectorSubcoreMesh(core_axis_name="c", subcore_axis_name="s"),
        out_type=[out, out, out, out],
        scratch_types=[
            pltpu.VMEM((_RPW, _NSAMPLE), jnp.int32),
            pltpu.VMEM((2, _NSAMPLE, _OUT), f32),
            pltpu.VMEM((_GRP, _OUT), f32),
            pltpu.VMEM((_GRP, _OUT), f32),
            pltpu.VMEM((_GRP, _OUT), f32),
            pltpu.VMEM((_GRP, _OUT), f32),
            pltpu.SemaphoreType.DMA,
            pltpu.SemaphoreType.DMA,
        ],
    )(_sc_body)
    return run(u, gidx_pad)


def kernel(p, x, o, condition, W, cond_gamma, cond_beta):
    pb = p.reshape(_B, _NPB, 3)
    idx = _fps_all(pb)
    new_xyz = jnp.take_along_axis(pb, idx[:, :, None], axis=1)

    new_xyz_pad = jnp.pad(new_xyz, ((0, 0), (0, _MPAD - _MPB), (0, 0)))
    nidx = _knn_all(new_xyz_pad, pb)[:, :_MPB]
    gidx = (nidx + (jnp.arange(_B, dtype=jnp.int32) * _NPB)[:, None, None])
    gidx = gidx.reshape(_M, _NSAMPLE)

    u = _dense_u(p, x, W)

    c = new_xyz.reshape(_M, 3) @ W[:3]

    gidx_pad = jnp.pad(gidx, ((0, _MP - _M), (0, 0)))
    gmx, gmn, gs1, gs2 = _sc_gather_reduce(u, gidx_pad)
    gmx, gmn, gs1, gs2 = gmx[:_M], gmn[:_M], gs1[:_M], gs2[:_M]

    cnt = _M * _NSAMPLE
    s1 = jnp.sum(gs1 - _NSAMPLE * c, axis=0)
    s2 = jnp.sum(gs2 - 2.0 * c * gs1 + _NSAMPLE * c * c, axis=0)
    mean = s1 / cnt
    var = s2 / cnt - mean * mean
    gamma = cond_gamma[condition]
    beta = cond_beta[condition]
    scale = gamma / jnp.sqrt(var + 1e-5)
    bias = beta - mean * scale
    gsel = jnp.where(scale >= 0, gmx, gmn)
    out = jax.nn.relu((gsel - c) * scale[None, :] + bias[None, :])

    n_p = new_xyz.reshape(_M, 3)
    n_o = jnp.array([(i + 1) * _MPB for i in range(_B)], jnp.int32)
    return (n_p, out, n_o)

# --- scband reference (transcript-rebuilt; emitter-appended) ---
"""Pipeline reference for scband-transition-down-67439576482088 (READ-ONLY COPY).

The authoritative reference and input builder live on the scoring server;
editing this copy changes nothing except your own understanding.
"""

import jax, jax.numpy as jnp
import numpy as np

B, NPB = 4, 4096
STRIDE, NSAMPLE = 4, 16
IN_PLANES, OUT_PLANES = 256, 512
MPB = NPB // STRIDE + 1  # 1025 sampled points per cloud


def setup_inputs(seed: int = 0):
    key = jax.random.key(seed)
    k1, k2, k3, k4, k5 = jax.random.split(key, 5)
    p = jax.random.uniform(k1, (B * NPB, 3), jnp.float32)
    x = jax.random.normal(k2, (B * NPB, IN_PLANES), jnp.float32)
    o = jnp.array([(i + 1) * NPB for i in range(B)], jnp.int32)
    W = jax.random.normal(k3, (3 + IN_PLANES, OUT_PLANES), jnp.float32) * 0.02
    cond_gamma = jnp.ones((4, OUT_PLANES), jnp.float32) + jax.random.normal(k4, (4, OUT_PLANES), jnp.float32) * 0.01
    cond_beta = jax.random.normal(k5, (4, OUT_PLANES), jnp.float32) * 0.01
    return {"p": p, "x": x, "o": o, "condition": 0, "W": W, "cond_gamma": cond_gamma, "cond_beta": cond_beta}


def _fps(pts, m):
    # iterative farthest point sampling; returns int32 indices [m]
    d0 = jnp.sum((pts - pts[0]) ** 2, axis=1)

    def step(dists, _):
        nxt = jnp.argmax(dists).astype(jnp.int32)
        d = jnp.sum((pts - pts[nxt]) ** 2, axis=1)
        dists = jnp.minimum(dists, d)
        return dists, nxt

    _, idxs = jax.lax.scan(step, d0, None, length=m - 1)
    return jnp.concatenate([jnp.zeros((1,), jnp.int32), idxs.astype(jnp.int32)])


def _knn_group(pts, feats, new_xyz, nsample):
    # kNN query + group with relative xyz (with_xyz=True)
    d = jnp.sum((new_xyz[:, None, :] - pts[None, :, :]) ** 2, axis=-1)  # [m, n]
    _, idx = jax.lax.top_k(-d, nsample)  # [m, nsample]
    rel = pts[idx] - new_xyz[:, None, :]  # [m, nsample, 3]
    g = feats[idx]  # [m, nsample, C]
    return jnp.concatenate([rel, g], axis=-1)


def reference(p, x, o, condition, W, cond_gamma, cond_beta):
    pb = p.reshape(B, NPB, 3)
    xb = x.reshape(B, NPB, IN_PLANES)
    idx = jax.vmap(lambda q: _fps(q, MPB))(pb)  # [B, MPB]
    new_xyz = jnp.take_along_axis(pb, idx[:, :, None], axis=1)  # [B, MPB, 3]
    grouped = jax.vmap(_knn_group, in_axes=(0, 0, 0, None))(pb, xb, new_xyz, NSAMPLE)
    g = grouped.reshape(B * MPB, NSAMPLE, 3 + IN_PLANES)
    h = g @ W  # [M, NSAMPLE, OUT]
    h = jnp.transpose(h, (0, 2, 1))  # [M, OUT, NSAMPLE]
    mean = jnp.mean(h, axis=(0, 2), keepdims=True)
    var = jnp.var(h, axis=(0, 2), keepdims=True)
    gamma = cond_gamma[condition][None, :, None]
    beta = cond_beta[condition][None, :, None]
    hn = (h - mean) / jnp.sqrt(var + 1e-5) * gamma + beta
    hn = jax.nn.relu(hn)
    out = jnp.max(hn, axis=2)  # MaxPool1d(nsample) + squeeze -> [M, OUT]
    n_p = new_xyz.reshape(B * MPB, 3)
    n_o = jnp.array([(i + 1) * MPB for i in range(B)], jnp.int32)
    return (n_p, out, n_o)

if __name__ == "__main__":
    import jax
    _d = setup_inputs()
    print(jax.jit(kernel)(*tuple(_d.values())))

</pallas_src>

<mosaic_0001>
#map = affine_map<(d0, d1) -> (0, 0)>
module attributes {stable_mosaic.version = 14 : i64} {
  func.func @_sc_body(%arg0: i32, %arg1: i32, %arg2: memref<16384x512xf32, #tpu.memory_space<hbm>>, %arg3: memref<4352x16xi32, #tpu.memory_space<hbm>>, %arg4: memref<4352x512xf32, #tpu.memory_space<hbm>>, %arg5: memref<4352x512xf32, #tpu.memory_space<hbm>>, %arg6: memref<4352x512xf32, #tpu.memory_space<hbm>>, %arg7: memref<4352x512xf32, #tpu.memory_space<hbm>>, %arg8: memref<136x16xi32, #tpu.memory_space<vmem>>, %arg9: memref<2x16x512xf32, #tpu.memory_space<vmem>>, %arg10: memref<8x512xf32, #tpu.memory_space<vmem>>, %arg11: memref<8x512xf32, #tpu.memory_space<vmem>>, %arg12: memref<8x512xf32, #tpu.memory_space<vmem>>, %arg13: memref<8x512xf32, #tpu.memory_space<vmem>>, %arg14: memref<!tpu.dma_semaphore, #tpu.memory_space<semaphore_mem>>, %arg15: memref<!tpu.dma_semaphore, #tpu.memory_space<semaphore_mem>>) attributes {dimension_semantics = [#tpu.dimension_semantics<core_parallel>, #tpu.dimension_semantics<subcore_parallel>], iteration_bounds = array<i64: 2, 16>, scalar_prefetch = 0 : i64, scratch_operands = 8 : i64, tpu.core_type = #tpu.core_type<sc_vector_subcore>, window_params = [{transform_indices = #map}, {transform_indices = #map}, {transform_indices = #map}, {transform_indices = #map}, {transform_indices = #map}, {transform_indices = #map}]} {
    %mul3A = arith.constant 2 : i32
    %mul3A_0 = arith.muli %arg1, %mul3A : i32
    %add3A = arith.addi %mul3A_0, %arg0 : i32
    %mul3A_1 = arith.constant 136 : i32
    %mul3A_2 = arith.muli %add3A, %mul3A_1 : i32
    "tpu.region"() ({
      %run_scoped3A = tpu.sem_alloc : memref<!tpu.dma_semaphore, #tpu.memory_space<semaphore_mem>>
      %dma_start3A_20 = arith.constant 0 : i32
      %dma_start3A_21 = tpu.memref_slice %arg3[%mul3A_2, %dma_start3A_20] : memref<4352x16xi32, #tpu.memory_space<hbm>> -> memref<136x16xi32, #tpu.memory_space<hbm>>
      %dma_start3A_22 = arith.constant 0 : i32
      %dma_start3A_23 = tpu.memref_slice %arg3[%mul3A_2, %dma_start3A_22] : memref<4352x16xi32, #tpu.memory_space<hbm>> -> memref<136x16xi32, #tpu.memory_space<hbm>>
      tpu.enqueue_dma source(%dma_start3A_23 : memref<136x16xi32, #tpu.memory_space<hbm>>) target(%arg8 : memref<136x16xi32, #tpu.memory_space<vmem>>) target_semaphore(%run_scoped3A : memref<!tpu.dma_semaphore, #tpu.memory_space<semaphore_mem>>)
      %dma_wait3A = arith.constant 0 : i32
      %dma_wait3A_24 = tpu.memref_slice %arg3[%mul3A_2, %dma_wait3A] : memref<4352x16xi32, #tpu.memory_space<hbm>> -> memref<136x16xi32, #tpu.memory_space<hbm>>
      %dma_wait3A_25 = arith.constant 0 : i32
      %dma_wait3A_26 = tpu.memref_slice %arg3[%mul3A_2, %dma_wait3A_25] : memref<4352x16xi32, #tpu.memory_space<hbm>> -> memref<136x16xi32, #tpu.memory_space<hbm>>
      tpu.wait_dma2 semaphore(%run_scoped3A : memref<!tpu.dma_semaphore, #tpu.memory_space<semaphore_mem>>) src(%dma_wait3A_26 : memref<136x16xi32, #tpu.memory_space<hbm>>) dst(%arg8 : memref<136x16xi32, #tpu.memory_space<vmem>>)
      tpu.yield
    }) : () -> ()
    %dma_start3A = arith.constant 0 : i32
    %dma_start3A_3 = arith.constant 0 : i32
    %dma_start3A_4 = arith.constant 0 : i32
    %dma_start3A_5 = arith.constant 0 : i32
    %dma_start3A_6 = tpu.memref_slice %arg9[%dma_start3A_3, %dma_start3A_4, %dma_start3A_5] : memref<2x16x512xf32, #tpu.memory_space<vmem>> -> memref<1x16x512xf32, #tpu.memory_space<vmem>>
    %dma_start3A_7 = tpu.memref_squeeze %dma_start3A_6 : memref<1x16x512xf32, #tpu.memory_space<vmem>> -> memref<16x512xf32, #tpu.memory_space<vmem>>
    %dma_start3A_8 = arith.constant 0 : i32
    %dma_start3A_9 = tpu.memref_slice %arg8[%dma_start3A, %dma_start3A_8] : memref<136x16xi32, #tpu.memory_space<vmem>> -> memref<1x16xi32, #tpu.memory_space<vmem>>
    %dma_start3A_10 = tpu.memref_squeeze %dma_start3A_9 : memref<1x16xi32, #tpu.memory_space<vmem>> -> memref<16xi32, #tpu.memory_space<vmem>>
    %dma_start3A_11 = arith.constant 0 : i32
    %dma_start3A_12 = arith.constant 0 : i32
    %dma_start3A_13 = tpu.memref_slice %arg2[%dma_start3A_11, %dma_start3A_12] : memref<16384x512xf32, #tpu.memory_space<hbm>> -> memref<16384x512xf32, #tpu.memory_space<hbm>>
    tpu.enqueue_indirect_dma source(%dma_start3A_13 : memref<16384x512xf32, #tpu.memory_space<hbm>>) target(%dma_start3A_7 : memref<16x512xf32, #tpu.memory_space<vmem>>) offsets(%dma_start3A_10 : memref<16xi32, #tpu.memory_space<vmem>>) semaphore(%arg14 : memref<!tpu.dma_semaphore, #tpu.memory_space<semaphore_mem>>)
    %scan3A = arith.constant 0 : i32
    %scan3A_14 = arith.constant 0 : i32
    %scan3A_15 = arith.constant 68 : i32
    %scan3A_16 = arith.addi %scan3A_14, %scan3A_15 : i32
    %scan3A_17 = arith.constant 1 : i32
    %scan3A_18 = scf.for %scan3A_20 = %scan3A_14 to %scan3A_16 step %scan3A_17 iter_args(%scan3A_21 = %scan3A) -> (i32)  : i32 {
      %mul3A_22 = arith.constant 2 : i32
      %mul3A_23 = arith.muli %scan3A_20, %mul3A_22 : i32
      %add3A_24 = arith.constant 1 : i32
      %add3A_25 = arith.addi %mul3A_23, %add3A_24 : i32
      %lt3A = arith.constant 136 : i32
      %lt3A_26 = arith.cmpi slt, %add3A_25, %lt3A : i32
      %convert_element_type3A = arith.extui %lt3A_26 : i1 to i32
      %cond3A = arith.constant 0 : i32
      %cond3A_27 = arith.cmpi ne, %convert_element_type3A, %cond3A : i32
      scf.if %cond3A_27 {
        %add3A_109 = arith.constant 1 : i32
        %add3A_110 = arith.addi %mul3A_23, %add3A_109 : i32
        %dma_start3A_111 = arith.constant 1 : i32
        %dma_start3A_112 = arith.constant 0 : i32
        %dma_start3A_113 = arith.constant 0 : i32
        %dma_start3A_114 = tpu.memref_slice %arg9[%dma_start3A_111, %dma_start3A_112, %dma_start3A_113] : memref<2x16x512xf32, #tpu.memory_space<vmem>> -> memref<1x16x512xf32, #tpu.memory_space<vmem>>
        %dma_start3A_115 = tpu.memref_squeeze %dma_start3A_114 : memref<1x16x512xf32, #tpu.memory_space<vmem>> -> memref<16x512xf32, #tpu.memory_space<vmem>>
        %dma_start3A_116 = arith.constant 0 : i32
        %dma_start3A_117 = tpu.memref_slice %arg8[%add3A_110, %dma_start3A_116] : memref<136x16xi32, #tpu.memory_space<vmem>> -> memref<1x16xi32, #tpu.memory_space<vmem>>
        %dma_start3A_118 = tpu.memref_squeeze %dma_start3A_117 : memref<1x16xi32, #tpu.memory_space<vmem>> -> memref<16xi32, #tpu.memory_space<vmem>>
        %dma_start3A_119 = arith.constant 0 : i32
        %dma_start3A_120 = arith.constant 0 : i32
        %dma_start3A_121 = tpu.memref_slice %arg2[%dma_start3A_119, %dma_start3A_120] : memref<16384x512xf32, #tpu.memory_space<hbm>> -> memref<16384x512xf32, #tpu.memory_space<hbm>>
        tpu.enqueue_indirect_dma source(%dma_start3A_121 : memref<16384x512xf32, #tpu.memory_space<hbm>>) target(%dma_start3A_115 : memref<16x512xf32, #tpu.memory_space<vmem>>) offsets(%dma_start3A_118 : memref<16xi32, #tpu.memory_space<vmem>>) semaphore(%arg15 : memref<!tpu.dma_semaphore, #tpu.memory_space<semaphore_mem>>)
      } else {
      }
      %dma_wait3A = arith.constant 0 : i32
      %dma_wait3A_28 = arith.constant 0 : i32
      %dma_wait3A_29 = arith.constant 0 : i32
      %dma_wait3A_30 = tpu.memref_slice %arg9[%dma_wait3A, %dma_wait3A_28, %dma_wait3A_29] : memref<2x16x512xf32, #tpu.memory_space<vmem>> -> memref<1x16x512xf32, #tpu.memory_space<vmem>>
      %dma_wait3A_31 = tpu.memref_squeeze %dma_wait3A_30 : memref<1x16x512xf32, #tpu.memory_space<vmem>> -> memref<16x512xf32, #tpu.memory_space<vmem>>
      %dma_wait3A_32 = arith.constant 0 : i32
      %dma_wait3A_33 = tpu.memref_slice %arg8[%mul3A_23, %dma_wait3A_32] : memref<136x16xi32, #tpu.memory_space<vmem>> -> memref<1x16xi32, #tpu.memory_space<vmem>>
      %dma_wait3A_34 = tpu.memref_squeeze %dma_wait3A_33 : memref<1x16xi32, #tpu.memory_space<vmem>> -> memref<16xi32, #tpu.memory_space<vmem>>
      %dma_wait3A_35 = arith.constant 0 : i32
      %dma_wait3A_36 = arith.constant 0 : i32
      %dma_wait3A_37 = tpu.memref_slice %arg2[%dma_wait3A_35, %dma_wait3A_36] : memref<16384x512xf32, #tpu.memory_space<hbm>> -> memref<16384x512xf32, #tpu.memory_space<hbm>>
      tpu.wait_indirect_dma semaphore(%arg14 : memref<!tpu.dma_semaphore, #tpu.memory_space<semaphore_mem>>) src(%dma_wait3A_37 : memref<16384x512xf32, #tpu.memory_space<hbm>>) dst(%dma_wait3A_31 : memref<16x512xf32, #tpu.memory_space<vmem>>)
      %jit3A = arith.constant 8 : i32
      %eq3A = arith.constant 0 : i32
      %eq3A_38 = arith.cmpi eq, %jit3A, %eq3A : i32
      %jit3A_39 = arith.constant 1 : i32
      %select_n3A = arith.select %eq3A_38, %jit3A_39, %jit3A : i32
      %rem3A = arith.remsi %mul3A_23, %select_n3A : i32
      %ne3A = arith.constant 0 : i32
      %ne3A_40 = arith.cmpi ne, %rem3A, %ne3A : i32
      %lt3A_41 = arith.constant 0 : i32
      %lt3A_42 = arith.cmpi slt, %rem3A, %lt3A_41 : i32
      %lt3A_43 = arith.constant 0 : i32
      %lt3A_44 = arith.cmpi slt, %select_n3A, %lt3A_43 : i32
      %ne3A_45 = arith.xori %lt3A_42, %lt3A_44 : i1
      %and3A = arith.andi %ne3A_45, %ne3A_40 : i1
      %add3A_46 = arith.addi %rem3A, %select_n3A : i32
      %select_n3A_47 = arith.select %and3A, %add3A_46, %rem3A : i32
      %scan3A_48 = arith.constant 0 : i32
      %scan3A_49 = arith.constant 0 : i32
      %scan3A_50 = arith.constant 32 : i32
      %scan3A_51 = arith.addi %scan3A_49, %scan3A_50 : i32
      %scan3A_52 = arith.constant 1 : i32
      %scan3A_53 = scf.for %scan3A_109 = %scan3A_49 to %scan3A_51 step %scan3A_52 iter_args(%scan3A_110 = %scan3A_48) -> (i32)  : i32 {
        %mul3A_111 = arith.constant 16 : i32
        %mul3A_112 = arith.muli %scan3A_109, %mul3A_111 : i32
        %get3A = arith.constant 0 : i32
        %get3A_113 = arith.constant 0 : i32
        %get3A_114 = arith.index_cast %get3A : i32 to index
        %get3A_115 = arith.index_cast %get3A_113 : i32 to index
        %get3A_116 = arith.index_cast %mul3A_112 : i32 to index
        %get3A_117 = tpu.vector_load %arg9[%get3A_114, %get3A_115, %get3A_116] {strides = array<i32>} : memref<2x16x512xf32, #tpu.memory_space<vmem>>, vector<1x1x16xf32>,
        %get3A_118 = vector.shape_cast %get3A_117 : vector<1x1x16xf32> to vector<16xf32>
        %mul3A_119 = arith.mulf %get3A_118, %get3A_118 : vector<16xf32>
        %get3A_120 = arith.constant 0 : i32
        %get3A_121 = arith.constant 1 : i32
        %get3A_122 = arith.index_cast %get3A_120 : i32 to index
        %get3A_123 = arith.index_cast %get3A_121 : i32 to index
        %get3A_124 = arith.index_cast %mul3A_112 : i32 to index
        %get3A_125 = tpu.vector_load %arg9[%get3A_122, %get3A_123, %get3A_124] {strides = array<i32>} : memref<2x16x512xf32, #tpu.memory_space<vmem>>, vector<1x1x16xf32>,
        %get3A_126 = vector.shape_cast %get3A_125 : vector<1x1x16xf32> to vector<16xf32>
        %max3A = arith.maximumf %get3A_118, %get3A_126 : vector<16xf32>
        %min3A = arith.minimumf %get3A_118, %get3A_126 : vector<16xf32>
        %add3A_127 = arith.addf %get3A_118, %get3A_126 : vector<16xf32>
        %mul3A_128 = arith.mulf %get3A_126, %get3A_126 : vector<16xf32>
        %add3A_129 = arith.addf %mul3A_119, %mul3A_128 : vector<16xf32>
        %get3A_130 = arith.constant 0 : i32
        %get3A_131 = arith.constant 2 : i32
        %get3A_132 = arith.index_cast %get3A_130 : i32 to index
        %get3A_133 = arith.index_cast %get3A_131 : i32 to index
        %get3A_134 = arith.index_cast %mul3A_112 : i32 to index
        %get3A_135 = tpu.vector_load %arg9[%get3A_132, %get3A_133, %get3A_134] {strides = array<i32>} : memref<2x16x512xf32, #tpu.memory_space<vmem>>, vector<1x1x16xf32>,
        %get3A_136 = vector.shape_cast %get3A_135 : vector<1x1x16xf32> to vector<16xf32>
        %max3A_137 = arith.maximumf %max3A, %get3A_136 : vector<16xf32>
        %min3A_138 = arith.minimumf %min3A, %get3A_136 : vector<16xf32>
        %add3A_139 = arith.addf %add3A_127, %get3A_136 : vector<16xf32>
        %mul3A_140 = arith.mulf %get3A_136, %get3A_136 : vector<16xf32>
        %add3A_141 = arith.addf %add3A_129, %mul3A_140 : vector<16xf32>
        %get3A_142 = arith.constant 0 : i32
        %get3A_143 = arith.constant 3 : i32
        %get3A_144 = arith.index_cast %get3A_142 : i32 to index
        %get3A_145 = arith.index_cast %get3A_143 : i32 to index
        %get3A_146 = arith.index_cast %mul3A_112 : i32 to index
        %get3A_147 = tpu.vector_load %arg9[%get3A_144, %get3A_145, %get3A_146] {strides = array<i32>} : memref<2x16x512xf32, #tpu.memory_space<vmem>>, vector<1x1x16xf32>,
        %get3A_148 = vector.shape_cast %get3A_147 : vector<1x1x16xf32> to vector<16xf32>
        %max3A_149 = arith.maximumf %max3A_137, %get3A_148 : vector<16xf32>
        %min3A_150 = arith.minimumf %min3A_138, %get3A_148 : vector<16xf32>
        %add3A_151 = arith.addf %add3A_139, %get3A_148 : vector<16xf32>
        %mul3A_152 = arith.mulf %get3A_148, %get3A_148 : vector<16xf32>
        %add3A_153 = arith.addf %add3A_141, %mul3A_152 : vector<16xf32>
        %get3A_154 = arith.constant 0 : i32
        %get3A_155 = arith.constant 4 : i32
        %get3A_156 = arith.index_cast %get3A_154 : i32 to index
        %get3A_157 = arith.index_cast %get3A_155 : i32 to index
        %get3A_158 = arith.index_cast %mul3A_112 : i32 to index
        %get3A_159 = tpu.vector_load %arg9[%get3A_156, %get3A_157, %get3A_158] {strides = array<i32>} : memref<2x16x512xf32, #tpu.memory_space<vmem>>, vector<1x1x16xf32>,
        %get3A_160 = vector.shape_cast %get3A_159 : vector<1x1x16xf32> to vector<16xf32>
        %max3A_161 = arith.maximumf %max3A_149, %get3A_160 : vector<16xf32>
        %min3A_162 = arith.minimumf %min3A_150, %get3A_160 : vector<16xf32>
        %add3A_163 = arith.addf %add3A_151, %get3A_160 : vector<16xf32>
        %mul3A_164 = arith.mulf %get3A_160, %get3A_160 : vector<16xf32>
        %add3A_165 = arith.addf %add3A_153, %mul3A_164 : vector<16xf32>
        %get3A_166 = arith.constant 0 : i32
        %get3A_167 = arith.constant 5 : i32
        %get3A_168 = arith.index_cast %get3A_166 : i32 to index
        %get3A_169 = arith.index_cast %get3A_167 : i32 to index
        %get3A_170 = arith.index_cast %mul3A_112 : i32 to index
        %get3A_171 = tpu.vector_load %arg9[%get3A_168, %get3A_169, %get3A_170] {strides = array<i32>} : memref<2x16x512xf32, #tpu.memory_space<vmem>>, vector<1x1x16xf32>,
        %get3A_172 = vector.shape_cast %get3A_171 : vector<1x1x16xf32> to vector<16xf32>
        %max3A_173 = arith.maximumf %max3A_161, %get3A_172 : vector<16xf32>
        %min3A_174 = arith.minimumf %min3A_162, %get3A_172 : vector<16xf32>
        %add3A_175 = arith.addf %add3A_163, %get3A_172 : vector<16xf32>
        %mul3A_176 = arith.mulf %get3A_172, %get3A_172 : vector<16xf32>
        %add3A_177 = arith.addf %add3A_165, %mul3A_176 : vector<16xf32>
        %get3A_178 = arith.constant 0 : i32
        %get3A_179 = arith.constant 6 : i32
        %get3A_180 = arith.index_cast %get3A_178 : i32 to index
        %get3A_181 = arith.index_cast %get3A_179 : i32 to index
        %get3A_182 = arith.index_cast %mul3A_112 : i32 to index
        %get3A_183 = tpu.vector_load %arg9[%get3A_180, %get3A_181, %get3A_182] {strides = array<i32>} : memref<2x16x512xf32, #tpu.memory_space<vmem>>, vector<1x1x16xf32>,
        %get3A_184 = vector.shape_cast %get3A_183 : vector<1x1x16xf32> to vector<16xf32>
        %max3A_185 = arith.maximumf %max3A_173, %get3A_184 : vector<16xf32>
        %min3A_186 = arith.minimumf %min3A_174, %get3A_184 : vector<16xf32>
        %add3A_187 = arith.addf %add3A_175, %get3A_184 : vector<16xf32>
        %mul3A_188 = arith.mulf %get3A_184, %get3A_184 : vector<16xf32>
        %add3A_189 = arith.addf %add3A_177, %mul3A_188 : vector<16xf32>
        %get3A_190 = arith.constant 0 : i32
        %get3A_191 = arith.constant 7 : i32
        %get3A_192 = arith.index_cast %get3A_190 : i32 to index
        %get3A_193 = arith.index_cast %get3A_191 : i32 to index
        %get3A_194 = arith.index_cast %mul3A_112 : i32 to index
        %get3A_195 = tpu.vector_load %arg9[%get3A_192, %get3A_193, %get3A_194] {strides = array<i32>} : memref<2x16x512xf32, #tpu.memory_space<vmem>>, vector<1x1x16xf32>,
        %get3A_196 = vector.shape_cast %get3A_195 : vector<1x1x16xf32> to vector<16xf32>
        %max3A_197 = arith.maximumf %max3A_185, %get3A_196 : vector<16xf32>
        %min3A_198 = arith.minimumf %min3A_186, %get3A_196 : vector<16xf32>
        %add3A_199 = arith.addf %add3A_187, %get3A_196 : vector<16xf32>
        %mul3A_200 = arith.mulf %get3A_196, %get3A_196 : vector<16xf32>
        %add3A_201 = arith.addf %add3A_189, %mul3A_200 : vector<16xf32>
        %get3A_202 = arith.constant 0 : i32
        %get3A_203 = arith.constant 8 : i32
        %get3A_204 = arith.index_cast %get3A_202 : i32 to index
        %get3A_205 = arith.index_cast %get3A_203 : i32 to index
        %get3A_206 = arith.index_cast %mul3A_112 : i32 to index
        %get3A_207 = tpu.vector_load %arg9[%get3A_204, %get3A_205, %get3A_206] {strides = array<i32>} : memref<2x16x512xf32, #tpu.memory_space<vmem>>, vector<1x1x16xf32>,
        %get3A_208 = vector.shape_cast %get3A_207 : vector<1x1x16xf32> to vector<16xf32>
        %max3A_209 = arith.maximumf %max3A_197, %get3A_208 : vector<16xf32>
        %min3A_210 = arith.minimumf %min3A_198, %get3A_208 : vector<16xf32>
        %add3A_211 = arith.addf %add3A_199, %get3A_208 : vector<16xf32>
        %mul3A_212 = arith.mulf %get3A_208, %get3A_208 : vector<16xf32>
        %add3A_213 = arith.addf %add3A_201, %mul3A_212 : vector<16xf32>
        %get3A_214 = arith.constant 0 : i32
        %get3A_215 = arith.constant 9 : i32
        %get3A_216 = arith.index_cast %get3A_214 : i32 to index
        %get3A_217 = arith.index_cast %get3A_215 : i32 to index
        %get3A_218 = arith.index_cast %mul3A_112 : i32 to index
        %get3A_219 = tpu.vector_load %arg9[%get3A_216, %get3A_217, %get3A_218] {strides = array<i32>} : memref<2x16x512xf32, #tpu.memory_space<vmem>>, vector<1x1x16xf32>,
        %get3A_220 = vector.shape_cast %get3A_219 : vector<1x1x16xf32> to vector<16xf32>
        %max3A_221 = arith.maximumf %max3A_209, %get3A_220 : vector<16xf32>
        %min3A_222 = arith.minimumf %min3A_210, %get3A_220 : vector<16xf32>
        %add3A_223 = arith.addf %add3A_211, %get3A_220 : vector<16xf32>
        %mul3A_224 = arith.mulf %get3A_220, %get3A_220 : vector<16xf32>
        %add3A_225 = arith.addf %add3A_213, %mul3A_224 : vector<16xf32>
        %get3A_226 = arith.constant 0 : i32
        %get3A_227 = arith.constant 10 : i32
        %get3A_228 = arith.index_cast %get3A_226 : i32 to index
        %get3A_229 = arith.index_cast %get3A_227 : i32 to index
        %get3A_230 = arith.index_cast %mul3A_112 : i32 to index
        %get3A_231 = tpu.vector_load %arg9[%get3A_228, %get3A_229, %get3A_230] {strides = array<i32>} : memref<2x16x512xf32, #tpu.memory_space<vmem>>, vector<1x1x16xf32>,
        %get3A_232 = vector.shape_cast %get3A_231 : vector<1x1x16xf32> to vector<16xf32>
        %max3A_233 = arith.maximumf %max3A_221, %get3A_232 : vector<16xf32>
        %min3A_234 = arith.minimumf %min3A_222, %get3A_232 : vector<16xf32>
        %add3A_235 = arith.addf %add3A_223, %get3A_232 : vector<16xf32>
        %mul3A_236 = arith.mulf %get3A_232, %get3A_232 : vector<16xf32>
        %add3A_237 = arith.addf %add3A_225, %mul3A_236 : vector<16xf32>
        %get3A_238 = arith.constant 0 : i32
        %get3A_239 = arith.constant 11 : i32
        %get3A_240 = arith.index_cast %get3A_238 : i32 to index
        %get3A_241 = arith.index_cast %get3A_239 : i32 to index
        %get3A_242 = arith.index_cast %mul3A_112 : i32 to index
        %get3A_243 = tpu.vector_load %arg9[%get3A_240, %get3A_241, %get3A_242] {strides = array<i32>} : memref<2x16x512xf32, #tpu.memory_space<vmem>>, vector<1x1x16xf32>,
        %get3A_244 = vector.shape_cast %get3A_243 : vector<1x1x16xf32> to vector<16xf32>
        %max3A_245 = arith.maximumf %max3A_233, %get3A_244 : vector<16xf32>
        %min3A_246 = arith.minimumf %min3A_234, %get3A_244 : vector<16xf32>
        %add3A_247 = arith.addf %add3A_235, %get3A_244 : vector<16xf32>
        %mul3A_248 = arith.mulf %get3A_244, %get3A_244 : vector<16xf32>
        %add3A_249 = arith.addf %add3A_237, %mul3A_248 : vector<16xf32>
        %get3A_250 = arith.constant 0 : i32
        %get3A_251 = arith.constant 12 : i32
        %get3A_252 = arith.index_cast %get3A_250 : i32 to index
        %get3A_253 = arith.index_cast %get3A_251 : i32 to index
        %get3A_254 = arith.index_cast %mul3A_112 : i32 to index
        %get3A_255 = tpu.vector_load %arg9[%get3A_252, %get3A_253, %get3A_254] {strides = array<i32>} : memref<2x16x512xf32, #tpu.memory_space<vmem>>, vector<1x1x16xf32>,
        %get3A_256 = vector.shape_cast %get3A_255 : vector<1x1x16xf32> to vector<16xf32>
        %max3A_257 = arith.maximumf %max3A_245, %get3A_256 : vector<16xf32>
        %min3A_258 = arith.minimumf %min3A_246, %get3A_256 : vector<16xf32>
        %add3A_259 = arith.addf %add3A_247, %get3A_256 : vector<16xf32>
        %mul3A_260 = arith.mulf %get3A_256, %get3A_256 : vector<16xf32>
        %add3A_261 = arith.addf %add3A_249, %mul3A_260 : vector<16xf32>
        %get3A_262 = arith.constant 0 : i32
        %get3A_263 = arith.constant 13 : i32
        %get3A_264 = arith.index_cast %get3A_262 : i32 to index
        %get3A_265 = arith.index_cast %get3A_263 : i32 to index
        %get3A_266 = arith.index_cast %mul3A_112 : i32 to index
        %get3A_267 = tpu.vector_load %arg9[%get3A_264, %get3A_265, %get3A_266] {strides = array<i32>} : memref<2x16x512xf32, #tpu.memory_space<vmem>>, vector<1x1x16xf32>,
        %get3A_268 = vector.shape_cast %get3A_267 : vector<1x1x16xf32> to vector<16xf32>
        %max3A_269 = arith.maximumf %max3A_257, %get3A_268 : vector<16xf32>
        %min3A_270 = arith.minimumf %min3A_258, %get3A_268 : vector<16xf32>
        %add3A_271 = arith.addf %add3A_259, %get3A_268 : vector<16xf32>
        %mul3A_272 = arith.mulf %get3A_268, %get3A_268 : vector<16xf32>
        %add3A_273 = arith.addf %add3A_261, %mul3A_272 : vector<16xf32>
        %get3A_274 = arith.constant 0 : i32
        %get3A_275 = arith.constant 14 : i32
        %get3A_276 = arith.index_cast %get3A_274 : i32 to index
        %get3A_277 = arith.index_cast %get3A_275 : i32 to index
        %get3A_278 = arith.index_cast %mul3A_112 : i32 to index
        %get3A_279 = tpu.vector_load %arg9[%get3A_276, %get3A_277, %get3A_278] {strides = array<i32>} : memref<2x16x512xf32, #tpu.memory_space<vmem>>, vector<1x1x16xf32>,
        %get3A_280 = vector.shape_cast %get3A_279 : vector<1x1x16xf32> to vector<16xf32>
        %max3A_281 = arith.maximumf %max3A_269, %get3A_280 : vector<16xf32>
        %min3A_282 = arith.minimumf %min3A_270, %get3A_280 : vector<16xf32>
        %add3A_283 = arith.addf %add3A_271, %get3A_280 : vector<16xf32>
        %mul3A_284 = arith.mulf %get3A_280, %get3A_280 : vector<16xf32>
        %add3A_285 = arith.addf %add3A_273, %mul3A_284 : vector<16xf32>
        %get3A_286 = arith.constant 0 : i32
        %get3A_287 = arith.constant 15 : i32
        %get3A_288 = arith.index_cast %get3A_286 : i32 to index
        %get3A_289 = arith.index_cast %get3A_287 : i32 to index
        %get3A_290 = arith.index_cast %mul3A_112 : i32 to index
        %get3A_291 = tpu.vector_load %arg9[%get3A_288, %get3A_289, %get3A_290] {strides = array<i32>} : memref<2x16x512xf32, #tpu.memory_space<vmem>>, vector<1x1x16xf32>,
        %get3A_292 = vector.shape_cast %get3A_291 : vector<1x1x16xf32> to vector<16xf32>
        %max3A_293 = arith.maximumf %max3A_281, %get3A_292 : vector<16xf32>
        %min3A_294 = arith.minimumf %min3A_282, %get3A_292 : vector<16xf32>
        %add3A_295 = arith.addf %add3A_283, %get3A_292 : vector<16xf32>
        %mul3A_296 = arith.mulf %get3A_292, %get3A_292 : vector<16xf32>
        %add3A_297 = arith.addf %add3A_285, %mul3A_296 : vector<16xf32>
        %swap3A = arith.index_cast %select_n3A_47 : i32 to index
        %swap3A_298 = arith.index_cast %mul3A_112 : i32 to index
        %swap3A_299 = tpu.vector_load %arg10[%swap3A, %swap3A_298] {strides = array<i32>} : memref<8x512xf32, #tpu.memory_space<vmem>>, vector<1x16xf32>,
        %swap3A_300 = vector.shape_cast %swap3A_299 : vector<1x16xf32> to vector<16xf32>
        %swap3A_301 = vector.shape_cast %max3A_293 : vector<16xf32> to vector<1x16xf32>
        tpu.vector_store %arg10[%swap3A, %swap3A_298], %swap3A_301 {strides = array<i32>} : memref<8x512xf32, #tpu.memory_space<vmem>>, vector<1x16xf32>,
        %swap3A_302 = arith.index_cast %select_n3A_47 : i32 to index
        %swap3A_303 = arith.index_cast %mul3A_112 : i32 to index
        %swap3A_304 = tpu.vector_load %arg11[%swap3A_302, %swap3A_303] {strides = array<i32>} : memref<8x512xf32, #tpu.memory_space<vmem>>, vector<1x16xf32>,
        %swap3A_305 = vector.shape_cast %swap3A_304 : vector<1x16xf32> to vector<16xf32>
        %swap3A_306 = vector.shape_cast %min3A_294 : vector<16xf32> to vector<1x16xf32>
        tpu.vector_store %arg11[%swap3A_302, %swap3A_303], %swap3A_306 {strides = array<i32>} : memref<8x512xf32, #tpu.memory_space<vmem>>, vector<1x16xf32>,
        %swap3A_307 = arith.index_cast %select_n3A_47 : i32 to index
        %swap3A_308 = arith.index_cast %mul3A_112 : i32 to index
        %swap3A_309 = tpu.vector_load %arg12[%swap3A_307, %swap3A_308] {strides = array<i32>} : memref<8x512xf32, #tpu.memory_space<vmem>>, vector<1x16xf32>,
        %swap3A_310 = vector.shape_cast %swap3A_309 : vector<1x16xf32> to vector<16xf32>
        %swap3A_311 = vector.shape_cast %add3A_295 : vector<16xf32> to vector<1x16xf32>
        tpu.vector_store %arg12[%swap3A_307, %swap3A_308], %swap3A_311 {strides = array<i32>} : memref<8x512xf32, #tpu.memory_space<vmem>>, vector<1x16xf32>,
        %swap3A_312 = arith.index_cast %select_n3A_47 : i32 to index
        %swap3A_313 = arith.index_cast %mul3A_112 : i32 to index
        %swap3A_314 = tpu.vector_load %arg13[%swap3A_312, %swap3A_313] {strides = array<i32>} : memref<8x512xf32, #tpu.memory_space<vmem>>, vector<1x16xf32>,
        %swap3A_315 = vector.shape_cast %swap3A_314 : vector<1x16xf32> to vector<16xf32>
        %swap3A_316 = vector.shape_cast %add3A_297 : vector<16xf32> to vector<1x16xf32>
        tpu.vector_store %arg13[%swap3A_312, %swap3A_313], %swap3A_316 {strides = array<i32>} : memref<8x512xf32, #tpu.memory_space<vmem>>, vector<1x16xf32>,
        %scan3A_317 = arith.constant 0 : i32
        scf.yield %scan3A_317 : i32
      }
      %scan3A_54 = arith.constant 32 : i32
      %eq3A_55 = arith.constant 7 : i32
      %eq3A_56 = arith.cmpi eq, %select_n3A_47, %eq3A_55 : i32
      %convert_element_type3A_57 = arith.extui %eq3A_56 : i1 to i32
      %cond3A_58 = arith.constant 0 : i32
      %cond3A_59 = arith.cmpi ne, %convert_element_type3A_57, %cond3A_58 : i32
      scf.if %cond3A_59 {
        %add3A_109 = arith.addi %mul3A_2, %mul3A_23 : i32
        %sub3A = arith.constant 7 : i32
        %sub3A_110 = arith.subi %add3A_109, %sub3A : i32
        %multiple_of3A = tpu.assume_multiple %sub3A_110, 8 : i32
        "tpu.region"() ({
          %run_scoped3A = tpu.sem_alloc : memref<!tpu.dma_semaphore, #tpu.memory_space<semaphore_mem>>
          %dma_start3A_111 = arith.constant 0 : i32
          %dma_start3A_112 = tpu.memref_slice %arg4[%multiple_of3A, %dma_start3A_111] : memref<4352x512xf32, #tpu.memory_space<hbm>> -> memref<8x512xf32, #tpu.memory_space<hbm>>
          %dma_start3A_113 = arith.constant 0 : i32
          %dma_start3A_114 = tpu.memref_slice %arg4[%multiple_of3A, %dma_start3A_113] : memref<4352x512xf32, #tpu.memory_space<hbm>> -> memref<8x512xf32, #tpu.memory_space<hbm>>
          tpu.enqueue_dma source(%arg10 : memref<8x512xf32, #tpu.memory_space<vmem>>) target(%dma_start3A_114 : memref<8x512xf32, #tpu.memory_space<hbm>>) target_semaphore(%run_scoped3A : memref<!tpu.dma_semaphore, #tpu.memory_space<semaphore_mem>>)
          %dma_wait3A_115 = arith.constant 0 : i32
          %dma_wait3A_116 = tpu.memref_slice %arg4[%multiple_of3A, %dma_wait3A_115] : memref<4352x512xf32, #tpu.memory_space<hbm>> -> memref<8x512xf32, #tpu.memory_space<hbm>>
          %dma_wait3A_117 = arith.constant 0 : i32
          %dma_wait3A_118 = tpu.memref_slice %arg4[%multiple_of3A, %dma_wait3A_117] : memref<4352x512xf32, #tpu.memory_space<hbm>> -> memref<8x512xf32, #tpu.memory_space<hbm>>
          tpu.wait_dma2 semaphore(%run_scoped3A : memref<!tpu.dma_semaphore, #tpu.memory_space<semaphore_mem>>) src(%arg10 : memref<8x512xf32, #tpu.memory_space<vmem>>) dst(%dma_wait3A_118 : memref<8x512xf32, #tpu.memory_space<hbm>>)
          tpu.yield
        }) : () -> ()
        "tpu.region"() ({
          %run_scoped3A = tpu.sem_alloc : memref<!tpu.dma_semaphore, #tpu.memory_space<semaphore_mem>>
          %dma_start3A_111 = arith.constant 0 : i32
          %dma_start3A_112 = tpu.memref_slice %arg5[%multiple_of3A, %dma_start3A_111] : memref<4352x512xf32, #tpu.memory_space<hbm>> -> memref<8x512xf32, #tpu.memory_space<hbm>>
          %dma_start3A_113 = arith.constant 0 : i32
          %dma_start3A_114 = tpu.memref_slice %arg5[%multiple_of3A, %dma_start3A_113] : memref<4352x512xf32, #tpu.memory_space<hbm>> -> memref<8x512xf32, #tpu.memory_space<hbm>>
          tpu.enqueue_dma source(%arg11 : memref<8x512xf32, #tpu.memory_space<vmem>>) target(%dma_start3A_114 : memref<8x512xf32, #tpu.memory_space<hbm>>) target_semaphore(%run_scoped3A : memref<!tpu.dma_semaphore, #tpu.memory_space<semaphore_mem>>)
          %dma_wait3A_115 = arith.constant 0 : i32
          %dma_wait3A_116 = tpu.memref_slice %arg5[%multiple_of3A, %dma_wait3A_115] : memref<4352x512xf32, #tpu.memory_space<hbm>> -> memref<8x512xf32, #tpu.memory_space<hbm>>
          %dma_wait3A_117 = arith.constant 0 : i32
          %dma_wait3A_118 = tpu.memref_slice %arg5[%multiple_of3A, %dma_wait3A_117] : memref<4352x512xf32, #tpu.memory_space<hbm>> -> memref<8x512xf32, #tpu.memory_space<hbm>>
          tpu.wait_dma2 semaphore(%run_scoped3A : memref<!tpu.dma_semaphore, #tpu.memory_space<semaphore_mem>>) src(%arg11 : memref<8x512xf32, #tpu.memory_space<vmem>>) dst(%dma_wait3A_118 : memref<8x512xf32, #tpu.memory_space<hbm>>)
          tpu.yield
        }) : () -> ()
        "tpu.region"() ({
          %run_scoped3A = tpu.sem_alloc : memref<!tpu.dma_semaphore, #tpu.memory_space<semaphore_mem>>
          %dma_start3A_111 = arith.constant 0 : i32
          %dma_start3A_112 = tpu.memref_slice %arg6[%multiple_of3A, %dma_start3A_111] : memref<4352x512xf32, #tpu.memory_space<hbm>> -> memref<8x512xf32, #tpu.memory_space<hbm>>
          %dma_start3A_113 = arith.constant 0 : i32
          %dma_start3A_114 = tpu.memref_slice %arg6[%multiple_of3A, %dma_start3A_113] : memref<4352x512xf32, #tpu.memory_space<hbm>> -> memref<8x512xf32, #tpu.memory_space<hbm>>
          tpu.enqueue_dma source(%arg12 : memref<8x512xf32, #tpu.memory_space<vmem>>) target(%dma_start3A_114 : memref<8x512xf32, #tpu.memory_space<hbm>>) target_semaphore(%run_scoped3A : memref<!tpu.dma_semaphore, #tpu.memory_space<semaphore_mem>>)
          %dma_wait3A_115 = arith.constant 0 : i32
          %dma_wait3A_116 = tpu.memref_slice %arg6[%multiple_of3A, %dma_wait3A_115] : memref<4352x512xf32, #tpu.memory_space<hbm>> -> memref<8x512xf32, #tpu.memory_space<hbm>>
          %dma_wait3A_117 = arith.constant 0 : i32
          %dma_wait3A_118 = tpu.memref_slice %arg6[%multiple_of3A, %dma_wait3A_117] : memref<4352x512xf32, #tpu.memory_space<hbm>> -> memref<8x512xf32, #tpu.memory_space<hbm>>
          tpu.wait_dma2 semaphore(%run_scoped3A : memref<!tpu.dma_semaphore, #tpu.memory_space<semaphore_mem>>) src(%arg12 : memref<8x512xf32, #tpu.memory_space<vmem>>) dst(%dma_wait3A_118 : memref<8x512xf32, #tpu.memory_space<hbm>>)
          tpu.yield
        }) : () -> ()
        "tpu.region"() ({
          %run_scoped3A = tpu.sem_alloc : memref<!tpu.dma_semaphore, #tpu.memory_space<semaphore_mem>>
          %dma_start3A_111 = arith.constant 0 : i32
          %dma_start3A_112 = tpu.memref_slice %arg7[%multiple_of3A, %dma_start3A_111] : memref<4352x512xf32, #tpu.memory_space<hbm>> -> memref<8x512xf32, #tpu.memory_space<hbm>>
          %dma_start3A_113 = arith.constant 0 : i32
          %dma_start3A_114 = tpu.memref_slice %arg7[%multiple_of3A, %dma_start3A_113] : memref<4352x512xf32, #tpu.memory_space<hbm>> -> memref<8x512xf32, #tpu.memory_space<hbm>>
          tpu.enqueue_dma source(%arg13 : memref<8x512xf32, #tpu.memory_space<vmem>>) target(%dma_start3A_114 : memref<8x512xf32, #tpu.memory_space<hbm>>) target_semaphore(%run_scoped3A : memref<!tpu.dma_semaphore, #tpu.memory_space<semaphore_mem>>)
          %dma_wait3A_115 = arith.constant 0 : i32
          %dma_wait3A_116 = tpu.memref_slice %arg7[%multiple_of3A, %dma_wait3A_115] : memref<4352x512xf32, #tpu.memory_space<hbm>> -> memref<8x512xf32, #tpu.memory_space<hbm>>
          %dma_wait3A_117 = arith.constant 0 : i32
          %dma_wait3A_118 = tpu.memref_slice %arg7[%multiple_of3A, %dma_wait3A_117] : memref<4352x512xf32, #tpu.memory_space<hbm>> -> memref<8x512xf32, #tpu.memory_space<hbm>>
          tpu.wait_dma2 semaphore(%run_scoped3A : memref<!tpu.dma_semaphore, #tpu.memory_space<semaphore_mem>>) src(%arg13 : memref<8x512xf32, #tpu.memory_space<vmem>>) dst(%dma_wait3A_118 : memref<8x512xf32, #tpu.memory_space<hbm>>)
          tpu.yield
        }) : () -> ()
      } else {
      }
      %add3A_60 = arith.constant 2 : i32
      %add3A_61 = arith.addi %mul3A_23, %add3A_60 : i32
      %lt3A_62 = arith.constant 136 : i32
      %lt3A_63 = arith.cmpi slt, %add3A_61, %lt3A_62 : i32
      %convert_element_type3A_64 = arith.extui %lt3A_63 : i1 to i32
      %cond3A_65 = arith.constant 0 : i32
      %cond3A_66 = arith.cmpi ne, %convert_element_type3A_64, %cond3A_65 : i32
      scf.if %cond3A_66 {
        %add3A_109 = arith.constant 2 : i32
        %add3A_110 = arith.addi %mul3A_23, %add3A_109 : i32
        %dma_start3A_111 = arith.constant 0 : i32
        %dma_start3A_112 = arith.constant 0 : i32
        %dma_start3A_113 = arith.constant 0 : i32
        %dma_start3A_114 = tpu.memref_slice %arg9[%dma_start3A_111, %dma_start3A_112, %dma_start3A_113] : memref<2x16x512xf32, #tpu.memory_space<vmem>> -> memref<1x16x512xf32, #tpu.memory_space<vmem>>
        %dma_start3A_115 = tpu.memref_squeeze %dma_start3A_114 : memref<1x16x512xf32, #tpu.memory_space<vmem>> -> memref<16x512xf32, #tpu.memory_space<vmem>>
        %dma_start3A_116 = arith.constant 0 : i32
        %dma_start3A_117 = tpu.memref_slice %arg8[%add3A_110, %dma_start3A_116] : memref<136x16xi32, #tpu.memory_space<vmem>> -> memref<1x16xi32, #tpu.memory_space<vmem>>
        %dma_start3A_118 = tpu.memref_squeeze %dma_start3A_117 : memref<1x16xi32, #tpu.memory_space<vmem>> -> memref<16xi32, #tpu.memory_space<vmem>>
        %dma_start3A_119 = arith.constant 0 : i32
        %dma_start3A_120 = arith.constant 0 : i32
        %dma_start3A_121 = tpu.memref_slice %arg2[%dma_start3A_119, %dma_start3A_120] : memref<16384x512xf32, #tpu.memory_space<hbm>> -> memref<16384x512xf32, #tpu.memory_space<hbm>>
        tpu.enqueue_indirect_dma source(%dma_start3A_121 : memref<16384x512xf32, #tpu.memory_space<hbm>>) target(%dma_start3A_115 : memref<16x512xf32, #tpu.memory_space<vmem>>) offsets(%dma_start3A_118 : memref<16xi32, #tpu.memory_space<vmem>>) semaphore(%arg14 : memref<!tpu.dma_semaphore, #tpu.memory_space<semaphore_mem>>)
      } else {
      }
      %add3A_67 = arith.constant 1 : i32
      %add3A_68 = arith.addi %mul3A_23, %add3A_67 : i32
      %dma_wait3A_69 = arith.constant 1 : i32
      %dma_wait3A_70 = arith.constant 0 : i32
      %dma_wait3A_71 = arith.constant 0 : i32
      %dma_wait3A_72 = tpu.memref_slice %arg9[%dma_wait3A_69, %dma_wait3A_70, %dma_wait3A_71] : memref<2x16x512xf32, #tpu.memory_space<vmem>> -> memref<1x16x512xf32, #tpu.memory_space<vmem>>
      %dma_wait3A_73 = tpu.memref_squeeze %dma_wait3A_72 : memref<1x16x512xf32, #tpu.memory_space<vmem>> -> memref<16x512xf32, #tpu.memory_space<vmem>>
      %dma_wait3A_74 = arith.constant 0 : i32
      %dma_wait3A_75 = tpu.memref_slice %arg8[%add3A_68, %dma_wait3A_74] : memref<136x16xi32, #tpu.memory_space<vmem>> -> memref<1x16xi32, #tpu.memory_space<vmem>>
      %dma_wait3A_76 = tpu.memref_squeeze %dma_wait3A_75 : memref<1x16xi32, #tpu.memory_space<vmem>> -> memref<16xi32, #tpu.memory_space<vmem>>
      %dma_wait3A_77 = arith.constant 0 : i32
      %dma_wait3A_78 = arith.constant 0 : i32
      %dma_wait3A_79 = tpu.memref_slice %arg2[%dma_wait3A_77, %dma_wait3A_78] : memref<16384x512xf32, #tpu.memory_space<hbm>> -> memref<16384x512xf32, #tpu.memory_space<hbm>>
      tpu.wait_indirect_dma semaphore(%arg15 : memref<!tpu.dma_semaphore, #tpu.memory_space<semaphore_mem>>) src(%dma_wait3A_79 : memref<16384x512xf32, #tpu.memory_space<hbm>>) dst(%dma_wait3A_73 : memref<16x512xf32, #tpu.memory_space<vmem>>)
      %jit3A_80 = arith.constant 8 : i32
      %eq3A_81 = arith.constant 0 : i32
      %eq3A_82 = arith.cmpi eq, %jit3A_80, %eq3A_81 : i32
      %jit3A_83 = arith.constant 1 : i32
      %select_n3A_84 = arith.select %eq3A_82, %jit3A_83, %jit3A_80 : i32
      %rem3A_85 = arith.remsi %add3A_68, %select_n3A_84 : i32
      %ne3A_86 = arith.constant 0 : i32
      %ne3A_87 = arith.cmpi ne, %rem3A_85, %ne3A_86 : i32
      %lt3A_88 = arith.constant 0 : i32
      %lt3A_89 = arith.cmpi slt, %rem3A_85, %lt3A_88 : i32
      %lt3A_90 = arith.constant 0 : i32
      %lt3A_91 = arith.cmpi slt, %select_n3A_84, %lt3A_90 : i32
      %ne3A_92 = arith.xori %lt3A_89, %lt3A_91 : i1
      %and3A_93 = arith.andi %ne3A_92, %ne3A_87 : i1
      %add3A_94 = arith.addi %rem3A_85, %select_n3A_84 : i32
      %select_n3A_95 = arith.select %and3A_93, %add3A_94, %rem3A_85 : i32
      %scan3A_96 = arith.constant 0 : i32
      %scan3A_97 = arith.constant 0 : i32
      %scan3A_98 = arith.constant 32 : i32
      %scan3A_99 = arith.addi %scan3A_97, %scan3A_98 : i32
      %scan3A_100 = arith.constant 1 : i32
      %scan3A_101 = scf.for %scan3A_109 = %scan3A_97 to %scan3A_99 step %scan3A_100 iter_args(%scan3A_110 = %scan3A_96) -> (i32)  : i32 {
        %mul3A_111 = arith.constant 16 : i32
        %mul3A_112 = arith.muli %scan3A_109, %mul3A_111 : i32
        %get3A = arith.constant 1 : i32
        %get3A_113 = arith.constant 0 : i32
        %get3A_114 = arith.index_cast %get3A : i32 to index
        %get3A_115 = arith.index_cast %get3A_113 : i32 to index
        %get3A_116 = arith.index_cast %mul3A_112 : i32 to index
        %get3A_117 = tpu.vector_load %arg9[%get3A_114, %get3A_115, %get3A_116] {strides = array<i32>} : memref<2x16x512xf32, #tpu.memory_space<vmem>>, vector<1x1x16xf32>,
        %get3A_118 = vector.shape_cast %get3A_117 : vector<1x1x16xf32> to vector<16xf32>
        %mul3A_119 = arith.mulf %get3A_118, %get3A_118 : vector<16xf32>
        %get3A_120 = arith.constant 1 : i32
        %get3A_121 = arith.constant 1 : i32
        %get3A_122 = arith.index_cast %get3A_120 : i32 to index
        %get3A_123 = arith.index_cast %get3A_121 : i32 to index
        %get3A_124 = arith.index_cast %mul3A_112 : i32 to index
        %get3A_125 = tpu.vector_load %arg9[%get3A_122, %get3A_123, %get3A_124] {strides = array<i32>} : memref<2x16x512xf32, #tpu.memory_space<vmem>>, vector<1x1x16xf32>,
        %get3A_126 = vector.shape_cast %get3A_125 : vector<1x1x16xf32> to vector<16xf32>
        %max3A = arith.maximumf %get3A_118, %get3A_126 : vector<16xf32>
        %min3A = arith.minimumf %get3A_118, %get3A_126 : vector<16xf32>
        %add3A_127 = arith.addf %get3A_118, %get3A_126 : vector<16xf32>
        %mul3A_128 = arith.mulf %get3A_126, %get3A_126 : vector<16xf32>
        %add3A_129 = arith.addf %mul3A_119, %mul3A_128 : vector<16xf32>
        %get3A_130 = arith.constant 1 : i32
        %get3A_131 = arith.constant 2 : i32
        %get3A_132 = arith.index_cast %get3A_130 : i32 to index
        %get3A_133 = arith.index_cast %get3A_131 : i32 to index
        %get3A_134 = arith.index_cast %mul3A_112 : i32 to index
        %get3A_135 = tpu.vector_load %arg9[%get3A_132, %get3A_133, %get3A_134] {strides = array<i32>} : memref<2x16x512xf32, #tpu.memory_space<vmem>>, vector<1x1x16xf32>,
        %get3A_136 = vector.shape_cast %get3A_135 : vector<1x1x16xf32> to vector<16xf32>
        %max3A_137 = arith.maximumf %max3A, %get3A_136 : vector<16xf32>
        %min3A_138 = arith.minimumf %min3A, %get3A_136 : vector<16xf32>
        %add3A_139 = arith.addf %add3A_127, %get3A_136 : vector<16xf32>
        %mul3A_140 = arith.mulf %get3A_136, %get3A_136 : vector<16xf32>
        %add3A_141 = arith.addf %add3A_129, %mul3A_140 : vector<16xf32>
        %get3A_142 = arith.constant 1 : i32
        %get3A_143 = arith.constant 3 : i32
        %get3A_144 = arith.index_cast %get3A_142 : i32 to index
        %get3A_145 = arith.index_cast %get3A_143 : i32 to index
        %get3A_146 = arith.index_cast %mul3A_112 : i32 to index
        %get3A_147 = tpu.vector_load %arg9[%get3A_144, %get3A_145, %get3A_146] {strides = array<i32>} : memref<2x16x512xf32, #tpu.memory_space<vmem>>, vector<1x1x16xf32>,
        %get3A_148 = vector.shape_cast %get3A_147 : vector<1x1x16xf32> to vector<16xf32>
        %max3A_149 = arith.maximumf %max3A_137, %get3A_148 : vector<16xf32>
        %min3A_150 = arith.minimumf %min3A_138, %get3A_148 : vector<16xf32>
        %add3A_151 = arith.addf %add3A_139, %get3A_148 : vector<16xf32>
        %mul3A_152 = arith.mulf %get3A_148, %get3A_148 : vector<16xf32>
        %add3A_153 = arith.addf %add3A_141, %mul3A_152 : vector<16xf32>
        %get3A_154 = arith.constant 1 : i32
        %get3A_155 = arith.constant 4 : i32
        %get3A_156 = arith.index_cast %get3A_154 : i32 to index
        %get3A_157 = arith.index_cast %get3A_155 : i32 to index
        %get3A_158 = arith.index_cast %mul3A_112 : i32 to index
        %get3A_159 = tpu.vector_load %arg9[%get3A_156, %get3A_157, %get3A_158] {strides = array<i32>} : memref<2x16x512xf32, #tpu.memory_space<vmem>>, vector<1x1x16xf32>,
        %get3A_160 = vector.shape_cast %get3A_159 : vector<1x1x16xf32> to vector<16xf32>
        %max3A_161 = arith.maximumf %max3A_149, %get3A_160 : vector<16xf32>
        %min3A_162 = arith.minimumf %min3A_150, %get3A_160 : vector<16xf32>
        %add3A_163 = arith.addf %add3A_151, %get3A_160 : vector<16xf32>
        %mul3A_164 = arith.mulf %get3A_160, %get3A_160 : vector<16xf32>
        %add3A_165 = arith.addf %add3A_153, %mul3A_164 : vector<16xf32>
        %get3A_166 = arith.constant 1 : i32
        %get3A_167 = arith.constant 5 : i32
        %get3A_168 = arith.index_cast %get3A_166 : i32 to index
        %get3A_169 = arith.index_cast %get3A_167 : i32 to index
        %get3A_170 = arith.index_cast %mul3A_112 : i32 to index
        %get3A_171 = tpu.vector_load %arg9[%get3A_168, %get3A_169, %get3A_170] {strides = array<i32>} : memref<2x16x512xf32, #tpu.memory_space<vmem>>, vector<1x1x16xf32>,
        %get3A_172 = vector.shape_cast %get3A_171 : vector<1x1x16xf32> to vector<16xf32>
        %max3A_173 = arith.maximumf %max3A_161, %get3A_172 : vector<16xf32>
        %min3A_174 = arith.minimumf %min3A_162, %get3A_172 : vector<16xf32>
        %add3A_175 = arith.addf %add3A_163, %get3A_172 : vector<16xf32>
        %mul3A_176 = arith.mulf %get3A_172, %get3A_172 : vector<16xf32>
        %add3A_177 = arith.addf %add3A_165, %mul3A_176 : vector<16xf32>
        %get3A_178 = arith.constant 1 : i32
        %get3A_179 = arith.constant 6 : i32
        %get3A_180 = arith.index_cast %get3A_178 : i32 to index
        %get3A_181 = arith.index_cast %get3A_179 : i32 to index
        %get3A_182 = arith.index_cast %mul3A_112 : i32 to index
        %get3A_183 = tpu.vector_load %arg9[%get3A_180, %get3A_181, %get3A_182] {strides = array<i32>} : memref<2x16x512xf32, #tpu.memory_space<vmem>>, vector<1x1x16xf32>,
        %get3A_184 = vector.shape_cast %get3A_183 : vector<1x1x16xf32> to vector<16xf32>
        %max3A_185 = arith.maximumf %max3A_173, %get3A_184 : vector<16xf32>
        %min3A_186 = arith.minimumf %min3A_174, %get3A_184 : vector<16xf32>
        %add3A_187 = arith.addf %add3A_175, %get3A_184 : vector<16xf32>
        %mul3A_188 = arith.mulf %get3A_184, %get3A_184 : vector<16xf32>
        %add3A_189 = arith.addf %add3A_177, %mul3A_188 : vector<16xf32>
        %get3A_190 = arith.constant 1 : i32
        %get3A_191 = arith.constant 7 : i32
        %get3A_192 = arith.index_cast %get3A_190 : i32 to index
        %get3A_193 = arith.index_cast %get3A_191 : i32 to index
        %get3A_194 = arith.index_cast %mul3A_112 : i32 to index
        %get3A_195 = tpu.vector_load %arg9[%get3A_192, %get3A_193, %get3A_194] {strides = array<i32>} : memref<2x16x512xf32, #tpu.memory_space<vmem>>, vector<1x1x16xf32>,
        %get3A_196 = vector.shape_cast %get3A_195 : vector<1x1x16xf32> to vector<16xf32>
        %max3A_197 = arith.maximumf %max3A_185, %get3A_196 : vector<16xf32>
        %min3A_198 = arith.minimumf %min3A_186, %get3A_196 : vector<16xf32>
        %add3A_199 = arith.addf %add3A_187, %get3A_196 : vector<16xf32>
        %mul3A_200 = arith.mulf %get3A_196, %get3A_196 : vector<16xf32>
        %add3A_201 = arith.addf %add3A_189, %mul3A_200 : vector<16xf32>
        %get3A_202 = arith.constant 1 : i32
        %get3A_203 = arith.constant 8 : i32
        %get3A_204 = arith.index_cast %get3A_202 : i32 to index
        %get3A_205 = arith.index_cast %get3A_203 : i32 to index
        %get3A_206 = arith.index_cast %mul3A_112 : i32 to index
        %get3A_207 = tpu.vector_load %arg9[%get3A_204, %get3A_205, %get3A_206] {strides = array<i32>} : memref<2x16x512xf32, #tpu.memory_space<vmem>>, vector<1x1x16xf32>,
        %get3A_208 = vector.shape_cast %get3A_207 : vector<1x1x16xf32> to vector<16xf32>
        %max3A_209 = arith.maximumf %max3A_197, %get3A_208 : vector<16xf32>
        %min3A_210 = arith.minimumf %min3A_198, %get3A_208 : vector<16xf32>
        %add3A_211 = arith.addf %add3A_199, %get3A_208 : vector<16xf32>
        %mul3A_212 = arith.mulf %get3A_208, %get3A_208 : vector<16xf32>
        %add3A_213 = arith.addf %add3A_201, %mul3A_212 : vector<16xf32>
        %get3A_214 = arith.constant 1 : i32
        %get3A_215 = arith.constant 9 : i32
        %get3A_216 = arith.index_cast %get3A_214 : i32 to index
        %get3A_217 = arith.index_cast %get3A_215 : i32 to index
        %get3A_218 = arith.index_cast %mul3A_112 : i32 to index
        %get3A_219 = tpu.vector_load %arg9[%get3A_216, %get3A_217, %get3A_218] {strides = array<i32>} : memref<2x16x512xf32, #tpu.memory_space<vmem>>, vector<1x1x16xf32>,
        %get3A_220 = vector.shape_cast %get3A_219 : vector<1x1x16xf32> to vector<16xf32>
        %max3A_221 = arith.maximumf %max3A_209, %get3A_220 : vector<16xf32>
        %min3A_222 = arith.minimumf %min3A_210, %get3A_220 : vector<16xf32>
        %add3A_223 = arith.addf %add3A_211, %get3A_220 : vector<16xf32>
        %mul3A_224 = arith.mulf %get3A_220, %get3A_220 : vector<16xf32>
        %add3A_225 = arith.addf %add3A_213, %mul3A_224 : vector<16xf32>
        %get3A_226 = arith.constant 1 : i32
        %get3A_227 = arith.constant 10 : i32
        %get3A_228 = arith.index_cast %get3A_226 : i32 to index
        %get3A_229 = arith.index_cast %get3A_227 : i32 to index
        %get3A_230 = arith.index_cast %mul3A_112 : i32 to index
        %get3A_231 = tpu.vector_load %arg9[%get3A_228, %get3A_229, %get3A_230] {strides = array<i32>} : memref<2x16x512xf32, #tpu.memory_space<vmem>>, vector<1x1x16xf32>,
        %get3A_232 = vector.shape_cast %get3A_231 : vector<1x1x16xf32> to vector<16xf32>
        %max3A_233 = arith.maximumf %max3A_221, %get3A_232 : vector<16xf32>
        %min3A_234 = arith.minimumf %min3A_222, %get3A_232 : vector<16xf32>
        %add3A_235 = arith.addf %add3A_223, %get3A_232 : vector<16xf32>
        %mul3A_236 = arith.mulf %get3A_232, %get3A_232 : vector<16xf32>
        %add3A_237 = arith.addf %add3A_225, %mul3A_236 : vector<16xf32>
        %get3A_238 = arith.constant 1 : i32
        %get3A_239 = arith.constant 11 : i32
        %get3A_240 = arith.index_cast %get3A_238 : i32 to index
        %get3A_241 = arith.index_cast %get3A_239 : i32 to index
        %get3A_242 = arith.index_cast %mul3A_112 : i32 to index
        %get3A_243 = tpu.vector_load %arg9[%get3A_240, %get3A_241, %get3A_242] {strides = array<i32>} : memref<2x16x512xf32, #tpu.memory_space<vmem>>, vector<1x1x16xf32>,
        %get3A_244 = vector.shape_cast %get3A_243 : vector<1x1x16xf32> to vector<16xf32>
        %max3A_245 = arith.maximumf %max3A_233, %get3A_244 : vector<16xf32>
        %min3A_246 = arith.minimumf %min3A_234, %get3A_244 : vector<16xf32>
        %add3A_247 = arith.addf %add3A_235, %get3A_244 : vector<16xf32>
        %mul3A_248 = arith.mulf %get3A_244, %get3A_244 : vector<16xf32>
        %add3A_249 = arith.addf %add3A_237, %mul3A_248 : vector<16xf32>
        %get3A_250 = arith.constant 1 : i32
        %get3A_251 = arith.constant 12 : i32
        %get3A_252 = arith.index_cast %get3A_250 : i32 to index
        %get3A_253 = arith.index_cast %get3A_251 : i32 to index
        %get3A_254 = arith.index_cast %mul3A_112 : i32 to index
        %get3A_255 = tpu.vector_load %arg9[%get3A_252, %get3A_253, %get3A_254] {strides = array<i32>} : memref<2x16x512xf32, #tpu.memory_space<vmem>>, vector<1x1x16xf32>,
        %get3A_256 = vector.shape_cast %get3A_255 : vector<1x1x16xf32> to vector<16xf32>
        %max3A_257 = arith.maximumf %max3A_245, %get3A_256 : vector<16xf32>
        %min3A_258 = arith.minimumf %min3A_246, %get3A_256 : vector<16xf32>
        %add3A_259 = arith.addf %add3A_247, %get3A_256 : vector<16xf32>
        %mul3A_260 = arith.mulf %get3A_256, %get3A_256 : vector<16xf32>
        %add3A_261 = arith.addf %add3A_249, %mul3A_260 : vector<16xf32>
        %get3A_262 = arith.constant 1 : i32
        %get3A_263 = arith.constant 13 : i32
        %get3A_264 = arith.index_cast %get3A_262 : i32 to index
        %get3A_265 = arith.index_cast %get3A_263 : i32 to index
        %get3A_266 = arith.index_cast %mul3A_112 : i32 to index
        %get3A_267 = tpu.vector_load %arg9[%get3A_264, %get3A_265, %get3A_266] {strides = array<i32>} : memref<2x16x512xf32, #tpu.memory_space<vmem>>, vector<1x1x16xf32>,
        %get3A_268 = vector.shape_cast %get3A_267 : vector<1x1x16xf32> to vector<16xf32>
        %max3A_269 = arith.maximumf %max3A_257, %get3A_268 : vector<16xf32>
        %min3A_270 = arith.minimumf %min3A_258, %get3A_268 : vector<16xf32>
        %add3A_271 = arith.addf %add3A_259, %get3A_268 : vector<16xf32>
        %mul3A_272 = arith.mulf %get3A_268, %get3A_268 : vector<16xf32>
        %add3A_273 = arith.addf %add3A_261, %mul3A_272 : vector<16xf32>
        %get3A_274 = arith.constant 1 : i32
        %get3A_275 = arith.constant 14 : i32
        %get3A_276 = arith.index_cast %get3A_274 : i32 to index
        %get3A_277 = arith.index_cast %get3A_275 : i32 to index
        %get3A_278 = arith.index_cast %mul3A_112 : i32 to index
        %get3A_279 = tpu.vector_load %arg9[%get3A_276, %get3A_277, %get3A_278] {strides = array<i32>} : memref<2x16x512xf32, #tpu.memory_space<vmem>>, vector<1x1x16xf32>,
        %get3A_280 = vector.shape_cast %get3A_279 : vector<1x1x16xf32> to vector<16xf32>
        %max3A_281 = arith.maximumf %max3A_269, %get3A_280 : vector<16xf32>
        %min3A_282 = arith.minimumf %min3A_270, %get3A_280 : vector<16xf32>
        %add3A_283 = arith.addf %add3A_271, %get3A_280 : vector<16xf32>
        %mul3A_284 = arith.mulf %get3A_280, %get3A_280 : vector<16xf32>
        %add3A_285 = arith.addf %add3A_273, %mul3A_284 : vector<16xf32>
        %get3A_286 = arith.constant 1 : i32
        %get3A_287 = arith.constant 15 : i32
        %get3A_288 = arith.index_cast %get3A_286 : i32 to index
        %get3A_289 = arith.index_cast %get3A_287 : i32 to index
        %get3A_290 = arith.index_cast %mul3A_112 : i32 to index
        %get3A_291 = tpu.vector_load %arg9[%get3A_288, %get3A_289, %get3A_290] {strides = array<i32>} : memref<2x16x512xf32, #tpu.memory_space<vmem>>, vector<1x1x16xf32>,
        %get3A_292 = vector.shape_cast %get3A_291 : vector<1x1x16xf32> to vector<16xf32>
        %max3A_293 = arith.maximumf %max3A_281, %get3A_292 : vector<16xf32>
        %min3A_294 = arith.minimumf %min3A_282, %get3A_292 : vector<16xf32>
        %add3A_295 = arith.addf %add3A_283, %get3A_292 : vector<16xf32>
        %mul3A_296 = arith.mulf %get3A_292, %get3A_292 : vector<16xf32>
        %add3A_297 = arith.addf %add3A_285, %mul3A_296 : vector<16xf32>
        %swap3A = arith.index_cast %select_n3A_95 : i32 to index
        %swap3A_298 = arith.index_cast %mul3A_112 : i32 to index
        %swap3A_299 = tpu.vector_load %arg10[%swap3A, %swap3A_298] {strides = array<i32>} : memref<8x512xf32, #tpu.memory_space<vmem>>, vector<1x16xf32>,
        %swap3A_300 = vector.shape_cast %swap3A_299 : vector<1x16xf32> to vector<16xf32>
        %swap3A_301 = vector.shape_cast %max3A_293 : vector<16xf32> to vector<1x16xf32>
        tpu.vector_store %arg10[%swap3A, %swap3A_298], %swap3A_301 {strides = array<i32>} : memref<8x512xf32, #tpu.memory_space<vmem>>, vector<1x16xf32>,
        %swap3A_302 = arith.index_cast %select_n3A_95 : i32 to index
        %swap3A_303 = arith.index_cast %mul3A_112 : i32 to index
        %swap3A_304 = tpu.vector_load %arg11[%swap3A_302, %swap3A_303] {strides = array<i32>} : memref<8x512xf32, #tpu.memory_space<vmem>>, vector<1x16xf32>,
        %swap3A_305 = vector.shape_cast %swap3A_304 : vector<1x16xf32> to vector<16xf32>
        %swap3A_306 = vector.shape_cast %min3A_294 : vector<16xf32> to vector<1x16xf32>
        tpu.vector_store %arg11[%swap3A_302, %swap3A_303], %swap3A_306 {strides = array<i32>} : memref<8x512xf32, #tpu.memory_space<vmem>>, vector<1x16xf32>,
        %swap3A_307 = arith.index_cast %select_n3A_95 : i32 to index
        %swap3A_308 = arith.index_cast %mul3A_112 : i32 to index
        %swap3A_309 = tpu.vector_load %arg12[%swap3A_307, %swap3A_308] {strides = array<i32>} : memref<8x512xf32, #tpu.memory_space<vmem>>, vector<1x16xf32>,
        %swap3A_310 = vector.shape_cast %swap3A_309 : vector<1x16xf32> to vector<16xf32>
        %swap3A_311 = vector.shape_cast %add3A_295 : vector<16xf32> to vector<1x16xf32>
        tpu.vector_store %arg12[%swap3A_307, %swap3A_308], %swap3A_311 {strides = array<i32>} : memref<8x512xf32, #tpu.memory_space<vmem>>, vector<1x16xf32>,
        %swap3A_312 = arith.index_cast %select_n3A_95 : i32 to index
        %swap3A_313 = arith.index_cast %mul3A_112 : i32 to index
        %swap3A_314 = tpu.vector_load %arg13[%swap3A_312, %swap3A_313] {strides = array<i32>} : memref<8x512xf32, #tpu.memory_space<vmem>>, vector<1x16xf32>,
        %swap3A_315 = vector.shape_cast %swap3A_314 : vector<1x16xf32> to vector<16xf32>
        %swap3A_316 = vector.shape_cast %add3A_297 : vector<16xf32> to vector<1x16xf32>
        tpu.vector_store %arg13[%swap3A_312, %swap3A_313], %swap3A_316 {strides = array<i32>} : memref<8x512xf32, #tpu.memory_space<vmem>>, vector<1x16xf32>,
        %scan3A_317 = arith.constant 0 : i32
        scf.yield %scan3A_317 : i32
      }
      %scan3A_102 = arith.constant 32 : i32
      %eq3A_103 = arith.constant 7 : i32
      %eq3A_104 = arith.cmpi eq, %select_n3A_95, %eq3A_103 : i32
      %convert_element_type3A_105 = arith.extui %eq3A_104 : i1 to i32
      %cond3A_106 = arith.constant 0 : i32
      %cond3A_107 = arith.cmpi ne, %convert_element_type3A_105, %cond3A_106 : i32
      scf.if %cond3A_107 {
        %add3A_109 = arith.addi %mul3A_2, %add3A_68 : i32
        %sub3A = arith.constant 7 : i32
        %sub3A_110 = arith.subi %add3A_109, %sub3A : i32
        %multiple_of3A = tpu.assume_multiple %sub3A_110, 8 : i32
        "tpu.region"() ({
          %run_scoped3A = tpu.sem_alloc : memref<!tpu.dma_semaphore, #tpu.memory_space<semaphore_mem>>
          %dma_start3A_111 = arith.constant 0 : i32
          %dma_start3A_112 = tpu.memref_slice %arg4[%multiple_of3A, %dma_start3A_111] : memref<4352x512xf32, #tpu.memory_space<hbm>> -> memref<8x512xf32, #tpu.memory_space<hbm>>
          %dma_start3A_113 = arith.constant 0 : i32
          %dma_start3A_114 = tpu.memref_slice %arg4[%multiple_of3A, %dma_start3A_113] : memref<4352x512xf32, #tpu.memory_space<hbm>> -> memref<8x512xf32, #tpu.memory_space<hbm>>
          tpu.enqueue_dma source(%arg10 : memref<8x512xf32, #tpu.memory_space<vmem>>) target(%dma_start3A_114 : memref<8x512xf32, #tpu.memory_space<hbm>>) target_semaphore(%run_scoped3A : memref<!tpu.dma_semaphore, #tpu.memory_space<semaphore_mem>>)
          %dma_wait3A_115 = arith.constant 0 : i32
          %dma_wait3A_116 = tpu.memref_slice %arg4[%multiple_of3A, %dma_wait3A_115] : memref<4352x512xf32, #tpu.memory_space<hbm>> -> memref<8x512xf32, #tpu.memory_space<hbm>>
          %dma_wait3A_117 = arith.constant 0 : i32
          %dma_wait3A_118 = tpu.memref_slice %arg4[%multiple_of3A, %dma_wait3A_117] : memref<4352x512xf32, #tpu.memory_space<hbm>> -> memref<8x512xf32, #tpu.memory_space<hbm>>
          tpu.wait_dma2 semaphore(%run_scoped3A : memref<!tpu.dma_semaphore, #tpu.memory_space<semaphore_mem>>) src(%arg10 : memref<8x512xf32, #tpu.memory_space<vmem>>) dst(%dma_wait3A_118 : memref<8x512xf32, #tpu.memory_space<hbm>>)
          tpu.yield
        }) : () -> ()
        "tpu.region"() ({
          %run_scoped3A = tpu.sem_alloc : memref<!tpu.dma_semaphore, #tpu.memory_space<semaphore_mem>>
          %dma_start3A_111 = arith.constant 0 : i32
          %dma_start3A_112 = tpu.memref_slice %arg5[%multiple_of3A, %dma_start3A_111] : memref<4352x512xf32, #tpu.memory_space<hbm>> -> memref<8x512xf32, #tpu.memory_space<hbm>>
          %dma_start3A_113 = arith.constant 0 : i32
          %dma_start3A_114 = tpu.memref_slice %arg5[%multiple_of3A, %dma_start3A_113] : memref<4352x512xf32, #tpu.memory_space<hbm>> -> memref<8x512xf32, #tpu.memory_space<hbm>>
          tpu.enqueue_dma source(%arg11 : memref<8x512xf32, #tpu.memory_space<vmem>>) target(%dma_start3A_114 : memref<8x512xf32, #tpu.memory_space<hbm>>) target_semaphore(%run_scoped3A : memref<!tpu.dma_semaphore, #tpu.memory_space<semaphore_mem>>)
          %dma_wait3A_115 = arith.constant 0 : i32
          %dma_wait3A_116 = tpu.memref_slice %arg5[%multiple_of3A, %dma_wait3A_115] : memref<4352x512xf32, #tpu.memory_space<hbm>> -> memref<8x512xf32, #tpu.memory_space<hbm>>
          %dma_wait3A_117 = arith.constant 0 : i32
          %dma_wait3A_118 = tpu.memref_slice %arg5[%multiple_of3A, %dma_wait3A_117] : memref<4352x512xf32, #tpu.memory_space<hbm>> -> memref<8x512xf32, #tpu.memory_space<hbm>>
          tpu.wait_dma2 semaphore(%run_scoped3A : memref<!tpu.dma_semaphore, #tpu.memory_space<semaphore_mem>>) src(%arg11 : memref<8x512xf32, #tpu.memory_space<vmem>>) dst(%dma_wait3A_118 : memref<8x512xf32, #tpu.memory_space<hbm>>)
          tpu.yield
        }) : () -> ()
        "tpu.region"() ({
          %run_scoped3A = tpu.sem_alloc : memref<!tpu.dma_semaphore, #tpu.memory_space<semaphore_mem>>
          %dma_start3A_111 = arith.constant 0 : i32
          %dma_start3A_112 = tpu.memref_slice %arg6[%multiple_of3A, %dma_start3A_111] : memref<4352x512xf32, #tpu.memory_space<hbm>> -> memref<8x512xf32, #tpu.memory_space<hbm>>
          %dma_start3A_113 = arith.constant 0 : i32
          %dma_start3A_114 = tpu.memref_slice %arg6[%multiple_of3A, %dma_start3A_113] : memref<4352x512xf32, #tpu.memory_space<hbm>> -> memref<8x512xf32, #tpu.memory_space<hbm>>
          tpu.enqueue_dma source(%arg12 : memref<8x512xf32, #tpu.memory_space<vmem>>) target(%dma_start3A_114 : memref<8x512xf32, #tpu.memory_space<hbm>>) target_semaphore(%run_scoped3A : memref<!tpu.dma_semaphore, #tpu.memory_space<semaphore_mem>>)
          %dma_wait3A_115 = arith.constant 0 : i32
          %dma_wait3A_116 = tpu.memref_slice %arg6[%multiple_of3A, %dma_wait3A_115] : memref<4352x512xf32, #tpu.memory_space<hbm>> -> memref<8x512xf32, #tpu.memory_space<hbm>>
          %dma_wait3A_117 = arith.constant 0 : i32
          %dma_wait3A_118 = tpu.memref_slice %arg6[%multiple_of3A, %dma_wait3A_117] : memref<4352x512xf32, #tpu.memory_space<hbm>> -> memref<8x512xf32, #tpu.memory_space<hbm>>
          tpu.wait_dma2 semaphore(%run_scoped3A : memref<!tpu.dma_semaphore, #tpu.memory_space<semaphore_mem>>) src(%arg12 : memref<8x512xf32, #tpu.memory_space<vmem>>) dst(%dma_wait3A_118 : memref<8x512xf32, #tpu.memory_space<hbm>>)
          tpu.yield
        }) : () -> ()
        "tpu.region"() ({
          %run_scoped3A = tpu.sem_alloc : memref<!tpu.dma_semaphore, #tpu.memory_space<semaphore_mem>>
          %dma_start3A_111 = arith.constant 0 : i32
          %dma_start3A_112 = tpu.memref_slice %arg7[%multiple_of3A, %dma_start3A_111] : memref<4352x512xf32, #tpu.memory_space<hbm>> -> memref<8x512xf32, #tpu.memory_space<hbm>>
          %dma_start3A_113 = arith.constant 0 : i32
          %dma_start3A_114 = tpu.memref_slice %arg7[%multiple_of3A, %dma_start3A_113] : memref<4352x512xf32, #tpu.memory_space<hbm>> -> memref<8x512xf32, #tpu.memory_space<hbm>>
          tpu.enqueue_dma source(%arg13 : memref<8x512xf32, #tpu.memory_space<vmem>>) target(%dma_start3A_114 : memref<8x512xf32, #tpu.memory_space<hbm>>) target_semaphore(%run_scoped3A : memref<!tpu.dma_semaphore, #tpu.memory_space<semaphore_mem>>)
          %dma_wait3A_115 = arith.constant 0 : i32
          %dma_wait3A_116 = tpu.memref_slice %arg7[%multiple_of3A, %dma_wait3A_115] : memref<4352x512xf32, #tpu.memory_space<hbm>> -> memref<8x512xf32, #tpu.memory_space<hbm>>
          %dma_wait3A_117 = arith.constant 0 : i32
          %dma_wait3A_118 = tpu.memref_slice %arg7[%multiple_of3A, %dma_wait3A_117] : memref<4352x512xf32, #tpu.memory_space<hbm>> -> memref<8x512xf32, #tpu.memory_space<hbm>>
          tpu.wait_dma2 semaphore(%run_scoped3A : memref<!tpu.dma_semaphore, #tpu.memory_space<semaphore_mem>>) src(%arg13 : memref<8x512xf32, #tpu.memory_space<vmem>>) dst(%dma_wait3A_118 : memref<8x512xf32, #tpu.memory_space<hbm>>)
          tpu.yield
        }) : () -> ()
      } else {
      }
      %scan3A_108 = arith.constant 0 : i32
      scf.yield %scan3A_108 : i32
    }
    %scan3A_19 = arith.constant 68 : i32
    return
  }
}

module attributes {stable_mosaic.version = 14 : i64} {
  func.func @_fps_kernel(%arg0: memref<4x4096xf32, #tpu.memory_space<vmem>>, %arg1: memref<4x4096xf32, #tpu.memory_space<vmem>>, %arg2: memref<4x4096xf32, #tpu.memory_space<vmem>>, %arg3: memref<4x1025xi32, #tpu.memory_space<vmem>>) attributes {dimension_semantics = [], scalar_prefetch = 0 : i64, scratch_operands = 0 : i64, tpu.core_type = #tpu.core_type<tc>} {
    %get3A = arith.constant 0 : index
    %get3A_0 = arith.constant 0 : index
    %get3A_1 = vector.load %arg0[%get3A, %get3A_0] : memref<4x4096xf32, #tpu.memory_space<vmem>>, vector<4x4096xf32>
    %get3A_2 = arith.constant 0 : index
    %get3A_3 = arith.constant 0 : index
    %get3A_4 = vector.load %arg1[%get3A_2, %get3A_3] : memref<4x4096xf32, #tpu.memory_space<vmem>>, vector<4x4096xf32>
    %get3A_5 = arith.constant 0 : index
    %get3A_6 = arith.constant 0 : index
    %get3A_7 = vector.load %arg2[%get3A_5, %get3A_6] : memref<4x4096xf32, #tpu.memory_space<vmem>>, vector<4x4096xf32>
    %iota3A = tpu.iota {dimensions = array<i32: 1>} : vector<4x4096xi32>
    %iota3A_8 = tpu.iota {dimensions = array<i32: 1>} : vector<4x1025xi32>
    %slice3A = vector.extract_strided_slice %get3A_1 {offsets = [0, 0], sizes = [4, 1], strides = [1, 1]} : vector<4x4096xf32> to vector<4x1xf32>
    %slice3A_9 = vector.extract_strided_slice %get3A_4 {offsets = [0, 0], sizes = [4, 1], strides = [1, 1]} : vector<4x4096xf32> to vector<4x1xf32>
    %slice3A_10 = vector.extract_strided_slice %get3A_7 {offsets = [0, 0], sizes = [4, 1], strides = [1, 1]} : vector<4x4096xf32> to vector<4x1xf32>
    %sub3A = vector.broadcast %slice3A : vector<4x1xf32> to vector<4x4096xf32>
    %sub3A_11 = arith.subf %get3A_1, %sub3A : vector<4x4096xf32>
    %integer_pow3A = arith.mulf %sub3A_11, %sub3A_11 : vector<4x4096xf32>
    %sub3A_12 = vector.broadcast %slice3A_10 : vector<4x1xf32> to vector<4x4096xf32>
    %sub3A_13 = arith.subf %get3A_7, %sub3A_12 : vector<4x4096xf32>
    %integer_pow3A_14 = arith.mulf %sub3A_13, %sub3A_13 : vector<4x4096xf32>
    %add3A = arith.addf %integer_pow3A, %integer_pow3A_14 : vector<4x4096xf32>
    %sub3A_15 = vector.broadcast %slice3A_9 : vector<4x1xf32> to vector<4x4096xf32>
    %sub3A_16 = arith.subf %get3A_4, %sub3A_15 : vector<4x4096xf32>
    %integer_pow3A_17 = arith.mulf %sub3A_16, %sub3A_16 : vector<4x4096xf32>
    %add3A_18 = arith.addf %add3A, %integer_pow3A_17 : vector<4x4096xf32>
    %broadcast_in_dim3A = arith.constant 0 : i32
    %broadcast_in_dim3A_19 = vector.broadcast %broadcast_in_dim3A : i32 to vector<4x1025xi32>
    %swap3A = arith.constant 0 : index
    %swap3A_20 = arith.constant 0 : index
    %swap3A_21 = vector.load %arg3[%swap3A, %swap3A_20] : memref<4x1025xi32, #tpu.memory_space<vmem>>, vector<4x1025xi32>
    tpu.vector_store %arg3[%swap3A, %swap3A_20], %broadcast_in_dim3A_19 {strides = array<i32>} : memref<4x1025xi32, #tpu.memory_space<vmem>>, vector<4x1025xi32>,
    %scan3A = arith.constant 1 : i32
    %scan3A_22 = arith.constant 1024 : i32
    %scan3A_23 = arith.addi %scan3A, %scan3A_22 : i32
    %scan3A_24 = arith.constant 1 : i32
    %scan3A_25 = scf.for %scan3A_27 = %scan3A to %scan3A_23 step %scan3A_24 iter_args(%scan3A_28 = %add3A_18) -> (vector<4x4096xf32>)  : i32 {
      %reduce_max3A = arith.constant dense<0xFF800000> : vector<4xf32>
      %reduce_max3A_29 = vector.multi_reduction <maximumf>, %scan3A_28, %reduce_max3A [1] : vector<4x4096xf32> to vector<4xf32>
      %broadcast_in_dim3A_30 = vector.shape_cast %reduce_max3A_29 : vector<4xf32> to vector<4x1xf32>
      %eq3A = vector.broadcast %broadcast_in_dim3A_30 : vector<4x1xf32> to vector<4x4096xf32>
      %eq3A_31 = arith.cmpf oeq, %scan3A_28, %eq3A : vector<4x4096xf32>
      %jit3A = arith.constant 4096 : i32
      %broadcast_in_dim3A_32 = vector.broadcast %jit3A : i32 to vector<4x4096xi32>
      %select_n3A = arith.select %eq3A_31, %iota3A, %broadcast_in_dim3A_32 : vector<4x4096xi1>, vector<4x4096xi32>
      %reduce_min3A = arith.constant dense<2147483647> : vector<4xi32>
      %reduce_min3A_33 = vector.multi_reduction <minsi>, %select_n3A, %reduce_min3A [1] : vector<4x4096xi32> to vector<4xi32>
      %broadcast_in_dim3A_34 = vector.shape_cast %reduce_min3A_33 : vector<4xi32> to vector<4x1xi32>
      %eq3A_35 = vector.broadcast %broadcast_in_dim3A_34 : vector<4x1xi32> to vector<4x4096xi32>
      %eq3A_36 = arith.cmpi eq, %iota3A, %eq3A_35 : vector<4x4096xi32>
      %jit3A_37 = arith.constant 0.000000e+00 : f32
      %broadcast_in_dim3A_38 = vector.broadcast %jit3A_37 : f32 to vector<4x4096xf32>
      %select_n3A_39 = arith.select %eq3A_36, %get3A_1, %broadcast_in_dim3A_38 : vector<4x4096xi1>, vector<4x4096xf32>
      %reduce_sum3A = arith.constant dense<0.000000e+00> : vector<4xf32>
      %reduce_sum3A_40 = vector.multi_reduction <add>, %select_n3A_39, %reduce_sum3A [1] : vector<4x4096xf32> to vector<4xf32>
      %broadcast_in_dim3A_41 = vector.shape_cast %reduce_sum3A_40 : vector<4xf32> to vector<4x1xf32>
      %jit3A_42 = arith.constant 0.000000e+00 : f32
      %broadcast_in_dim3A_43 = vector.broadcast %jit3A_42 : f32 to vector<4x4096xf32>
      %select_n3A_44 = arith.select %eq3A_36, %get3A_4, %broadcast_in_dim3A_43 : vector<4x4096xi1>, vector<4x4096xf32>
      %reduce_sum3A_45 = arith.constant dense<0.000000e+00> : vector<4xf32>
      %reduce_sum3A_46 = vector.multi_reduction <add>, %select_n3A_44, %reduce_sum3A_45 [1] : vector<4x4096xf32> to vector<4xf32>
      %broadcast_in_dim3A_47 = vector.shape_cast %reduce_sum3A_46 : vector<4xf32> to vector<4x1xf32>
      %jit3A_48 = arith.constant 0.000000e+00 : f32
      %broadcast_in_dim3A_49 = vector.broadcast %jit3A_48 : f32 to vector<4x4096xf32>
      %select_n3A_50 = arith.select %eq3A_36, %get3A_7, %broadcast_in_dim3A_49 : vector<4x4096xi1>, vector<4x4096xf32>
      %reduce_sum3A_51 = arith.constant dense<0.000000e+00> : vector<4xf32>
      %reduce_sum3A_52 = vector.multi_reduction <add>, %select_n3A_50, %reduce_sum3A_51 [1] : vector<4x4096xf32> to vector<4xf32>
      %broadcast_in_dim3A_53 = vector.shape_cast %reduce_sum3A_52 : vector<4xf32> to vector<4x1xf32>
      %sub3A_54 = vector.broadcast %broadcast_in_dim3A_41 : vector<4x1xf32> to vector<4x4096xf32>
      %sub3A_55 = arith.subf %get3A_1, %sub3A_54 : vector<4x4096xf32>
      %integer_pow3A_56 = arith.mulf %sub3A_55, %sub3A_55 : vector<4x4096xf32>
      %sub3A_57 = vector.broadcast %broadcast_in_dim3A_53 : vector<4x1xf32> to vector<4x4096xf32>
      %sub3A_58 = arith.subf %get3A_7, %sub3A_57 : vector<4x4096xf32>
      %integer_pow3A_59 = arith.mulf %sub3A_58, %sub3A_58 : vector<4x4096xf32>
      %add3A_60 = arith.addf %integer_pow3A_56, %integer_pow3A_59 : vector<4x4096xf32>
      %sub3A_61 = vector.broadcast %broadcast_in_dim3A_47 : vector<4x1xf32> to vector<4x4096xf32>
      %sub3A_62 = arith.subf %get3A_4, %sub3A_61 : vector<4x4096xf32>
      %integer_pow3A_63 = arith.mulf %sub3A_62, %sub3A_62 : vector<4x4096xf32>
      %add3A_64 = arith.addf %add3A_60, %integer_pow3A_63 : vector<4x4096xf32>
      %eq3A_65 = vector.broadcast %scan3A_27 : i32 to vector<4x1025xi32>
      %eq3A_66 = arith.cmpi eq, %iota3A_8, %eq3A_65 : vector<4x1025xi32>
      %get3A_67 = arith.constant 0 : index
      %get3A_68 = arith.constant 0 : index
      %get3A_69 = vector.load %arg3[%get3A_67, %get3A_68] : memref<4x1025xi32, #tpu.memory_space<vmem>>, vector<4x1025xi32>
      %broadcast_in_dim3A_70 = vector.shape_cast %broadcast_in_dim3A_34 : vector<4x1xi32> to vector<4x1xi32>
      %broadcast_in_dim3A_71 = vector.broadcast %broadcast_in_dim3A_70 : vector<4x1xi32> to vector<4x1025xi32>
      %select_n3A_72 = arith.select %eq3A_66, %broadcast_in_dim3A_71, %get3A_69 : vector<4x1025xi1>, vector<4x1025xi32>
      %swap3A_73 = arith.constant 0 : index
      %swap3A_74 = arith.constant 0 : index
      %swap3A_75 = vector.load %arg3[%swap3A_73, %swap3A_74] : memref<4x1025xi32, #tpu.memory_space<vmem>>, vector<4x1025xi32>
      tpu.vector_store %arg3[%swap3A_73, %swap3A_74], %select_n3A_72 {strides = array<i32>} : memref<4x1025xi32, #tpu.memory_space<vmem>>, vector<4x1025xi32>,
      %min3A = arith.minimumf %scan3A_28, %add3A_64 : vector<4x4096xf32>
      scf.yield %min3A : vector<4x4096xf32>
    }
    %scan3A_26 = arith.constant 1024 : i32
    return
  }
}

module attributes {stable_mosaic.version = 14 : i64} {
  func.func @_knn_kernel(%arg0: i32, %arg1: i32, %arg2: memref<1x128x1xf32, #tpu.memory_space<vmem>>, %arg3: memref<1x128x1xf32, #tpu.memory_space<vmem>>, %arg4: memref<1x128x1xf32, #tpu.memory_space<vmem>>, %arg5: memref<1x1x4096xf32, #tpu.memory_space<vmem>>, %arg6: memref<1x1x4096xf32, #tpu.memory_space<vmem>>, %arg7: memref<1x1x4096xf32, #tpu.memory_space<vmem>>, %arg8: memref<1x128x16xi32, #tpu.memory_space<vmem>>) attributes {dimension_semantics = [#tpu.dimension_semantics<arbitrary>, #tpu.dimension_semantics<arbitrary>], iteration_bounds = array<i64: 4, 9>, scalar_prefetch = 0 : i64, scratch_operands = 0 : i64, tpu.core_type = #tpu.core_type<tc>, window_params = [{transform_indices = @transform_0, window_bounds = array<i64: 1, 128, 1>}, {transform_indices = @transform_1, window_bounds = array<i64: 1, 128, 1>}, {transform_indices = @transform_2, window_bounds = array<i64: 1, 128, 1>}, {transform_indices = @transform_3, window_bounds = array<i64: 1, 1, 4096>}, {transform_indices = @transform_4, window_bounds = array<i64: 1, 1, 4096>}, {transform_indices = @transform_5, window_bounds = array<i64: 1, 1, 4096>}, {transform_indices = @transform_6, window_bounds = array<i64: 1, 128, 16>}]} {
    %get3A = arith.constant 0 : index
    %get3A_0 = arith.constant 0 : index
    %get3A_1 = arith.constant 0 : index
    %get3A_2 = vector.load %arg2[%get3A, %get3A_0, %get3A_1] : memref<1x128x1xf32, #tpu.memory_space<vmem>>, vector<1x128x1xf32>
    %get3A_3 = vector.shape_cast %get3A_2 : vector<1x128x1xf32> to vector<128x1xf32>
    %get3A_4 = arith.constant 0 : index
    %get3A_5 = arith.constant 0 : index
    %get3A_6 = arith.constant 0 : index
    %get3A_7 = vector.load %arg3[%get3A_4, %get3A_5, %get3A_6] : memref<1x128x1xf32, #tpu.memory_space<vmem>>, vector<1x128x1xf32>
    %get3A_8 = vector.shape_cast %get3A_7 : vector<1x128x1xf32> to vector<128x1xf32>
    %get3A_9 = arith.constant 0 : index
    %get3A_10 = arith.constant 0 : index
    %get3A_11 = arith.constant 0 : index
    %get3A_12 = vector.load %arg4[%get3A_9, %get3A_10, %get3A_11] : memref<1x128x1xf32, #tpu.memory_space<vmem>>, vector<1x128x1xf32>
    %get3A_13 = vector.shape_cast %get3A_12 : vector<1x128x1xf32> to vector<128x1xf32>
    %get3A_14 = arith.constant 0 : index
    %get3A_15 = arith.constant 0 : index
    %get3A_16 = arith.constant 0 : index
    %get3A_17 = vector.load %arg5[%get3A_14, %get3A_15, %get3A_16] : memref<1x1x4096xf32, #tpu.memory_space<vmem>>, vector<1x1x4096xf32>
    %get3A_18 = vector.shape_cast %get3A_17 : vector<1x1x4096xf32> to vector<1x4096xf32>
    %get3A_19 = arith.constant 0 : index
    %get3A_20 = arith.constant 0 : index
    %get3A_21 = arith.constant 0 : index
    %get3A_22 = vector.load %arg6[%get3A_19, %get3A_20, %get3A_21] : memref<1x1x4096xf32, #tpu.memory_space<vmem>>, vector<1x1x4096xf32>
    %get3A_23 = vector.shape_cast %get3A_22 : vector<1x1x4096xf32> to vector<1x4096xf32>
    %get3A_24 = arith.constant 0 : index
    %get3A_25 = arith.constant 0 : index
    %get3A_26 = arith.constant 0 : index
    %get3A_27 = vector.load %arg7[%get3A_24, %get3A_25, %get3A_26] : memref<1x1x4096xf32, #tpu.memory_space<vmem>>, vector<1x1x4096xf32>
    %get3A_28 = vector.shape_cast %get3A_27 : vector<1x1x4096xf32> to vector<1x4096xf32>
    %sub3A = vector.broadcast %get3A_3 : vector<128x1xf32> to vector<128x4096xf32>
    %sub3A_29 = vector.broadcast %get3A_18 : vector<1x4096xf32> to vector<128x4096xf32>
    %sub3A_30 = arith.subf %sub3A, %sub3A_29 : vector<128x4096xf32>
    %integer_pow3A = arith.mulf %sub3A_30, %sub3A_30 : vector<128x4096xf32>
    %sub3A_31 = vector.broadcast %get3A_8 : vector<128x1xf32> to vector<128x4096xf32>
    %sub3A_32 = vector.broadcast %get3A_23 : vector<1x4096xf32> to vector<128x4096xf32>
    %sub3A_33 = arith.subf %sub3A_31, %sub3A_32 : vector<128x4096xf32>
    %integer_pow3A_34 = arith.mulf %sub3A_33, %sub3A_33 : vector<128x4096xf32>
    %add3A = arith.addf %integer_pow3A, %integer_pow3A_34 : vector<128x4096xf32>
    %sub3A_35 = vector.broadcast %get3A_13 : vector<128x1xf32> to vector<128x4096xf32>
    %sub3A_36 = vector.broadcast %get3A_28 : vector<1x4096xf32> to vector<128x4096xf32>
    %sub3A_37 = arith.subf %sub3A_35, %sub3A_36 : vector<128x4096xf32>
    %integer_pow3A_38 = arith.mulf %sub3A_37, %sub3A_37 : vector<128x4096xf32>
    %add3A_39 = arith.addf %add3A, %integer_pow3A_38 : vector<128x4096xf32>
    %iota3A = tpu.iota {dimensions = array<i32: 1>} : vector<128x4096xi32>
    %reduce_min3A = arith.constant dense<0x7F800000> : vector<128xf32>
    %reduce_min3A_40 = vector.multi_reduction <minimumf>, %add3A_39, %reduce_min3A [1] : vector<128x4096xf32> to vector<128xf32>
    %broadcast_in_dim3A = vector.shape_cast %reduce_min3A_40 : vector<128xf32> to vector<128x1xf32>
    %eq3A = vector.broadcast %broadcast_in_dim3A : vector<128x1xf32> to vector<128x4096xf32>
    %eq3A_41 = arith.cmpf oeq, %add3A_39, %eq3A : vector<128x4096xf32>
    %jit3A = arith.constant 1073741824 : i32
    %broadcast_in_dim3A_42 = vector.broadcast %jit3A : i32 to vector<128x4096xi32>
    %select_n3A = arith.select %eq3A_41, %iota3A, %broadcast_in_dim3A_42 : vector<128x4096xi1>, vector<128x4096xi32>
    %reduce_min3A_43 = arith.constant dense<2147483647> : vector<128xi32>
    %reduce_min3A_44 = vector.multi_reduction <minsi>, %select_n3A, %reduce_min3A_43 [1] : vector<128x4096xi32> to vector<128xi32>
    %broadcast_in_dim3A_45 = vector.shape_cast %reduce_min3A_44 : vector<128xi32> to vector<128x1xi32>
    %swap3A = arith.constant 0 : index
    %swap3A_46 = arith.constant 0 : index
    %swap3A_47 = arith.constant 0 : index
    %swap3A_48 = vector.load %arg8[%swap3A, %swap3A_46, %swap3A_47] : memref<1x128x16xi32, #tpu.memory_space<vmem>>, vector<1x128x1xi32>
    %swap3A_49 = vector.shape_cast %swap3A_48 : vector<1x128x1xi32> to vector<128x1xi32>
    %swap3A_50 = vector.shape_cast %broadcast_in_dim3A_45 : vector<128x1xi32> to vector<1x128x1xi32>
    tpu.vector_store %arg8[%swap3A, %swap3A_46, %swap3A_47], %swap3A_50 {strides = array<i32>} : memref<1x128x16xi32, #tpu.memory_space<vmem>>, vector<1x128x1xi32>,
    %eq3A_51 = vector.broadcast %broadcast_in_dim3A_45 : vector<128x1xi32> to vector<128x4096xi32>
    %eq3A_52 = arith.cmpi eq, %iota3A, %eq3A_51 : vector<128x4096xi32>
    %jit3A_53 = arith.constant 0x7F800000 : f32
    %broadcast_in_dim3A_54 = vector.broadcast %jit3A_53 : f32 to vector<128x4096xf32>
    %select_n3A_55 = arith.select %eq3A_52, %broadcast_in_dim3A_54, %add3A_39 : vector<128x4096xi1>, vector<128x4096xf32>
    %reduce_min3A_56 = arith.constant dense<0x7F800000> : vector<128xf32>
    %reduce_min3A_57 = vector.multi_reduction <minimumf>, %select_n3A_55, %reduce_min3A_56 [1] : vector<128x4096xf32> to vector<128xf32>
    %broadcast_in_dim3A_58 = vector.shape_cast %reduce_min3A_57 : vector<128xf32> to vector<128x1xf32>
    %eq3A_59 = vector.broadcast %broadcast_in_dim3A_58 : vector<128x1xf32> to vector<128x4096xf32>
    %eq3A_60 = arith.cmpf oeq, %select_n3A_55, %eq3A_59 : vector<128x4096xf32>
    %jit3A_61 = arith.constant 1073741824 : i32
    %broadcast_in_dim3A_62 = vector.broadcast %jit3A_61 : i32 to vector<128x4096xi32>
    %select_n3A_63 = arith.select %eq3A_60, %iota3A, %broadcast_in_dim3A_62 : vector<128x4096xi1>, vector<128x4096xi32>
    %reduce_min3A_64 = arith.constant dense<2147483647> : vector<128xi32>
    %reduce_min3A_65 = vector.multi_reduction <minsi>, %select_n3A_63, %reduce_min3A_64 [1] : vector<128x4096xi32> to vector<128xi32>
    %broadcast_in_dim3A_66 = vector.shape_cast %reduce_min3A_65 : vector<128xi32> to vector<128x1xi32>
    %swap3A_67 = arith.constant 0 : index
    %swap3A_68 = arith.constant 0 : index
    %swap3A_69 = arith.constant 1 : index
    %swap3A_70 = vector.load %arg8[%swap3A_67, %swap3A_68, %swap3A_69] : memref<1x128x16xi32, #tpu.memory_space<vmem>>, vector<1x128x1xi32>
    %swap3A_71 = vector.shape_cast %swap3A_70 : vector<1x128x1xi32> to vector<128x1xi32>
    %swap3A_72 = vector.shape_cast %broadcast_in_dim3A_66 : vector<128x1xi32> to vector<1x128x1xi32>
    tpu.vector_store %arg8[%swap3A_67, %swap3A_68, %swap3A_69], %swap3A_72 {strides = array<i32>} : memref<1x128x16xi32, #tpu.memory_space<vmem>>, vector<1x128x1xi32>,
    %eq3A_73 = vector.broadcast %broadcast_in_dim3A_66 : vector<128x1xi32> to vector<128x4096xi32>
    %eq3A_74 = arith.cmpi eq, %iota3A, %eq3A_73 : vector<128x4096xi32>
    %jit3A_75 = arith.constant 0x7F800000 : f32
    %broadcast_in_dim3A_76 = vector.broadcast %jit3A_75 : f32 to vector<128x4096xf32>
    %select_n3A_77 = arith.select %eq3A_74, %broadcast_in_dim3A_76, %select_n3A_55 : vector<128x4096xi1>, vector<128x4096xf32>
    %reduce_min3A_78 = arith.constant dense<0x7F800000> : vector<128xf32>
    %reduce_min3A_79 = vector.multi_reduction <minimumf>, %select_n3A_77, %reduce_min3A_78 [1] : vector<128x4096xf32> to vector<128xf32>
    %broadcast_in_dim3A_80 = vector.shape_cast %reduce_min3A_79 : vector<128xf32> to vector<128x1xf32>
    %eq3A_81 = vector.broadcast %broadcast_in_dim3A_80 : vector<128x1xf32> to vector<128x4096xf32>
    %eq3A_82 = arith.cmpf oeq, %select_n3A_77, %eq3A_81 : vector<128x4096xf32>
    %jit3A_83 = arith.constant 1073741824 : i32
    %broadcast_in_dim3A_84 = vector.broadcast %jit3A_83 : i32 to vector<128x4096xi32>
    %select_n3A_85 = arith.select %eq3A_82, %iota3A, %broadcast_in_dim3A_84 : vector<128x4096xi1>, vector<128x4096xi32>
    %reduce_min3A_86 = arith.constant dense<2147483647> : vector<128xi32>
    %reduce_min3A_87 = vector.multi_reduction <minsi>, %select_n3A_85, %reduce_min3A_86 [1] : vector<128x4096xi32> to vector<128xi32>
    %broadcast_in_dim3A_88 = vector.shape_cast %reduce_min3A_87 : vector<128xi32> to vector<128x1xi32>
    %swap3A_89 = arith.constant 0 : index
    %swap3A_90 = arith.constant 0 : index
    %swap3A_91 = arith.constant 2 : index
    %swap3A_92 = vector.load %arg8[%swap3A_89, %swap3A_90, %swap3A_91] : memref<1x128x16xi32, #tpu.memory_space<vmem>>, vector<1x128x1xi32>
    %swap3A_93 = vector.shape_cast %swap3A_92 : vector<1x128x1xi32> to vector<128x1xi32>
    %swap3A_94 = vector.shape_cast %broadcast_in_dim3A_88 : vector<128x1xi32> to vector<1x128x1xi32>
    tpu.vector_store %arg8[%swap3A_89, %swap3A_90, %swap3A_91], %swap3A_94 {strides = array<i32>} : memref<1x128x16xi32, #tpu.memory_space<vmem>>, vector<1x128x1xi32>,
    %eq3A_95 = vector.broadcast %broadcast_in_dim3A_88 : vector<128x1xi32> to vector<128x4096xi32>
    %eq3A_96 = arith.cmpi eq, %iota3A, %eq3A_95 : vector<128x4096xi32>
    %jit3A_97 = arith.constant 0x7F800000 : f32
    %broadcast_in_dim3A_98 = vector.broadcast %jit3A_97 : f32 to vector<128x4096xf32>
    %select_n3A_99 = arith.select %eq3A_96, %broadcast_in_dim3A_98, %select_n3A_77 : vector<128x4096xi1>, vector<128x4096xf32>
    %reduce_min3A_100 = arith.constant dense<0x7F800000> : vector<128xf32>
    %reduce_min3A_101 = vector.multi_reduction <minimumf>, %select_n3A_99, %reduce_min3A_100 [1] : vector<128x4096xf32> to vector<128xf32>
    %broadcast_in_dim3A_102 = vector.shape_cast %reduce_min3A_101 : vector<128xf32> to vector<128x1xf32>
    %eq3A_103 = vector.broadcast %broadcast_in_dim3A_102 : vector<128x1xf32> to vector<128x4096xf32>
    %eq3A_104 = arith.cmpf oeq, %select_n3A_99, %eq3A_103 : vector<128x4096xf32>
    %jit3A_105 = arith.constant 1073741824 : i32
    %broadcast_in_dim3A_106 = vector.broadcast %jit3A_105 : i32 to vector<128x4096xi32>
    %select_n3A_107 = arith.select %eq3A_104, %iota3A, %broadcast_in_dim3A_106 : vector<128x4096xi1>, vector<128x4096xi32>
    %reduce_min3A_108 = arith.constant dense<2147483647> : vector<128xi32>
    %reduce_min3A_109 = vector.multi_reduction <minsi>, %select_n3A_107, %reduce_min3A_108 [1] : vector<128x4096xi32> to vector<128xi32>
    %broadcast_in_dim3A_110 = vector.shape_cast %reduce_min3A_109 : vector<128xi32> to vector<128x1xi32>
    %swap3A_111 = arith.constant 0 : index
    %swap3A_112 = arith.constant 0 : index
    %swap3A_113 = arith.constant 3 : index
    %swap3A_114 = vector.load %arg8[%swap3A_111, %swap3A_112, %swap3A_113] : memref<1x128x16xi32, #tpu.memory_space<vmem>>, vector<1x128x1xi32>
    %swap3A_115 = vector.shape_cast %swap3A_114 : vector<1x128x1xi32> to vector<128x1xi32>
    %swap3A_116 = vector.shape_cast %broadcast_in_dim3A_110 : vector<128x1xi32> to vector<1x128x1xi32>
    tpu.vector_store %arg8[%swap3A_111, %swap3A_112, %swap3A_113], %swap3A_116 {strides = array<i32>} : memref<1x128x16xi32, #tpu.memory_space<vmem>>, vector<1x128x1xi32>,
    %eq3A_117 = vector.broadcast %broadcast_in_dim3A_110 : vector<128x1xi32> to vector<128x4096xi32>
    %eq3A_118 = arith.cmpi eq, %iota3A, %eq3A_117 : vector<128x4096xi32>
    %jit3A_119 = arith.constant 0x7F800000 : f32
    %broadcast_in_dim3A_120 = vector.broadcast %jit3A_119 : f32 to vector<128x4096xf32>
    %select_n3A_121 = arith.select %eq3A_118, %broadcast_in_dim3A_120, %select_n3A_99 : vector<128x4096xi1>, vector<128x4096xf32>
    %reduce_min3A_122 = arith.constant dense<0x7F800000> : vector<128xf32>
    %reduce_min3A_123 = vector.multi_reduction <minimumf>, %select_n3A_121, %reduce_min3A_122 [1] : vector<128x4096xf32> to vector<128xf32>
    %broadcast_in_dim3A_124 = vector.shape_cast %reduce_min3A_123 : vector<128xf32> to vector<128x1xf32>
    %eq3A_125 = vector.broadcast %broadcast_in_dim3A_124 : vector<128x1xf32> to vector<128x4096xf32>
    %eq3A_126 = arith.cmpf oeq, %select_n3A_121, %eq3A_125 : vector<128x4096xf32>
    %jit3A_127 = arith.constant 1073741824 : i32
    %broadcast_in_dim3A_128 = vector.broadcast %jit3A_127 : i32 to vector<128x4096xi32>
    %select_n3A_129 = arith.select %eq3A_126, %iota3A, %broadcast_in_dim3A_128 : vector<128x4096xi1>, vector<128x4096xi32>
    %reduce_min3A_130 = arith.constant dense<2147483647> : vector<128xi32>
    %reduce_min3A_131 = vector.multi_reduction <minsi>, %select_n3A_129, %reduce_min3A_130 [1] : vector<128x4096xi32> to vector<128xi32>
    %broadcast_in_dim3A_132 = vector.shape_cast %reduce_min3A_131 : vector<128xi32> to vector<128x1xi32>
    %swap3A_133 = arith.constant 0 : index
    %swap3A_134 = arith.constant 0 : index
    %swap3A_135 = arith.constant 4 : index
    %swap3A_136 = vector.load %arg8[%swap3A_133, %swap3A_134, %swap3A_135] : memref<1x128x16xi32, #tpu.memory_space<vmem>>, vector<1x128x1xi32>
    %swap3A_137 = vector.shape_cast %swap3A_136 : vector<1x128x1xi32> to vector<128x1xi32>
    %swap3A_138 = vector.shape_cast %broadcast_in_dim3A_132 : vector<128x1xi32> to vector<1x128x1xi32>
    tpu.vector_store %arg8[%swap3A_133, %swap3A_134, %swap3A_135], %swap3A_138 {strides = array<i32>} : memref<1x128x16xi32, #tpu.memory_space<vmem>>, vector<1x128x1xi32>,
    %eq3A_139 = vector.broadcast %broadcast_in_dim3A_132 : vector<128x1xi32> to vector<128x4096xi32>
    %eq3A_140 = arith.cmpi eq, %iota3A, %eq3A_139 : vector<128x4096xi32>
    %jit3A_141 = arith.constant 0x7F800000 : f32
    %broadcast_in_dim3A_142 = vector.broadcast %jit3A_141 : f32 to vector<128x4096xf32>
    %select_n3A_143 = arith.select %eq3A_140, %broadcast_in_dim3A_142, %select_n3A_121 : vector<128x4096xi1>, vector<128x4096xf32>
    %reduce_min3A_144 = arith.constant dense<0x7F800000> : vector<128xf32>
    %reduce_min3A_145 = vector.multi_reduction <minimumf>, %select_n3A_143, %reduce_min3A_144 [1] : vector<128x4096xf32> to vector<128xf32>
    %broadcast_in_dim3A_146 = vector.shape_cast %reduce_min3A_145 : vector<128xf32> to vector<128x1xf32>
    %eq3A_147 = vector.broadcast %broadcast_in_dim3A_146 : vector<128x1xf32> to vector<128x4096xf32>
    %eq3A_148 = arith.cmpf oeq, %select_n3A_143, %eq3A_147 : vector<128x4096xf32>
    %jit3A_149 = arith.constant 1073741824 : i32
    %broadcast_in_dim3A_150 = vector.broadcast %jit3A_149 : i32 to vector<128x4096xi32>
    %select_n3A_151 = arith.select %eq3A_148, %iota3A, %broadcast_in_dim3A_150 : vector<128x4096xi1>, vector<128x4096xi32>
    %reduce_min3A_152 = arith.constant dense<2147483647> : vector<128xi32>
    %reduce_min3A_153 = vector.multi_reduction <minsi>, %select_n3A_151, %reduce_min3A_152 [1] : vector<128x4096xi32> to vector<128xi32>
    %broadcast_in_dim3A_154 = vector.shape_cast %reduce_min3A_153 : vector<128xi32> to vector<128x1xi32>
    %swap3A_155 = arith.constant 0 : index
    %swap3A_156 = arith.constant 0 : index
    %swap3A_157 = arith.constant 5 : index
    %swap3A_158 = vector.load %arg8[%swap3A_155, %swap3A_156, %swap3A_157] : memref<1x128x16xi32, #tpu.memory_space<vmem>>, vector<1x128x1xi32>
    %swap3A_159 = vector.shape_cast %swap3A_158 : vector<1x128x1xi32> to vector<128x1xi32>
    %swap3A_160 = vector.shape_cast %broadcast_in_dim3A_154 : vector<128x1xi32> to vector<1x128x1xi32>
    tpu.vector_store %arg8[%swap3A_155, %swap3A_156, %swap3A_157], %swap3A_160 {strides = array<i32>} : memref<1x128x16xi32, #tpu.memory_space<vmem>>, vector<1x128x1xi32>,
    %eq3A_161 = vector.broadcast %broadcast_in_dim3A_154 : vector<128x1xi32> to vector<128x4096xi32>
    %eq3A_162 = arith.cmpi eq, %iota3A, %eq3A_161 : vector<128x4096xi32>
    %jit3A_163 = arith.constant 0x7F800000 : f32
    %broadcast_in_dim3A_164 = vector.broadcast %jit3A_163 : f32 to vector<128x4096xf32>
    %select_n3A_165 = arith.select %eq3A_162, %broadcast_in_dim3A_164, %select_n3A_143 : vector<128x4096xi1>, vector<128x4096xf32>
    %reduce_min3A_166 = arith.constant dense<0x7F800000> : vector<128xf32>
    %reduce_min3A_167 = vector.multi_reduction <minimumf>, %select_n3A_165, %reduce_min3A_166 [1] : vector<128x4096xf32> to vector<128xf32>
    %broadcast_in_dim3A_168 = vector.shape_cast %reduce_min3A_167 : vector<128xf32> to vector<128x1xf32>
    %eq3A_169 = vector.broadcast %broadcast_in_dim3A_168 : vector<128x1xf32> to vector<128x4096xf32>
    %eq3A_170 = arith.cmpf oeq, %select_n3A_165, %eq3A_169 : vector<128x4096xf32>
    %jit3A_171 = arith.constant 1073741824 : i32
    %broadcast_in_dim3A_172 = vector.broadcast %jit3A_171 : i32 to vector<128x4096xi32>
    %select_n3A_173 = arith.select %eq3A_170, %iota3A, %broadcast_in_dim3A_172 : vector<128x4096xi1>, vector<128x4096xi32>
    %reduce_min3A_174 = arith.constant dense<2147483647> : vector<128xi32>
    %reduce_min3A_175 = vector.multi_reduction <minsi>, %select_n3A_173, %reduce_min3A_174 [1] : vector<128x4096xi32> to vector<128xi32>
    %broadcast_in_dim3A_176 = vector.shape_cast %reduce_min3A_175 : vector<128xi32> to vector<128x1xi32>
    %swap3A_177 = arith.constant 0 : index
    %swap3A_178 = arith.constant 0 : index
    %swap3A_179 = arith.constant 6 : index
    %swap3A_180 = vector.load %arg8[%swap3A_177, %swap3A_178, %swap3A_179] : memref<1x128x16xi32, #tpu.memory_space<vmem>>, vector<1x128x1xi32>
    %swap3A_181 = vector.shape_cast %swap3A_180 : vector<1x128x1xi32> to vector<128x1xi32>
    %swap3A_182 = vector.shape_cast %broadcast_in_dim3A_176 : vector<128x1xi32> to vector<1x128x1xi32>
    tpu.vector_store %arg8[%swap3A_177, %swap3A_178, %swap3A_179], %swap3A_182 {strides = array<i32>} : memref<1x128x16xi32, #tpu.memory_space<vmem>>, vector<1x128x1xi32>,
    %eq3A_183 = vector.broadcast %broadcast_in_dim3A_176 : vector<128x1xi32> to vector<128x4096xi32>
    %eq3A_184 = arith.cmpi eq, %iota3A, %eq3A_183 : vector<128x4096xi32>
    %jit3A_185 = arith.constant 0x7F800000 : f32
    %broadcast_in_dim3A_186 = vector.broadcast %jit3A_185 : f32 to vector<128x4096xf32>
    %select_n3A_187 = arith.select %eq3A_184, %broadcast_in_dim3A_186, %select_n3A_165 : vector<128x4096xi1>, vector<128x4096xf32>
    %reduce_min3A_188 = arith.constant dense<0x7F800000> : vector<128xf32>
    %reduce_min3A_189 = vector.multi_reduction <minimumf>, %select_n3A_187, %reduce_min3A_188 [1] : vector<128x4096xf32> to vector<128xf32>
    %broadcast_in_dim3A_190 = vector.shape_cast %reduce_min3A_189 : vector<128xf32> to vector<128x1xf32>
    %eq3A_191 = vector.broadcast %broadcast_in_dim3A_190 : vector<128x1xf32> to vector<128x4096xf32>
    %eq3A_192 = arith.cmpf oeq, %select_n3A_187, %eq3A_191 : vector<128x4096xf32>
    %jit3A_193 = arith.constant 1073741824 : i32
    %broadcast_in_dim3A_194 = vector.broadcast %jit3A_193 : i32 to vector<128x4096xi32>
    %select_n3A_195 = arith.select %eq3A_192, %iota3A, %broadcast_in_dim3A_194 : vector<128x4096xi1>, vector<128x4096xi32>
    %reduce_min3A_196 = arith.constant dense<2147483647> : vector<128xi32>
    %reduce_min3A_197 = vector.multi_reduction <minsi>, %select_n3A_195, %reduce_min3A_196 [1] : vector<128x4096xi32> to vector<128xi32>
    %broadcast_in_dim3A_198 = vector.shape_cast %reduce_min3A_197 : vector<128xi32> to vector<128x1xi32>
    %swap3A_199 = arith.constant 0 : index
    %swap3A_200 = arith.constant 0 : index
    %swap3A_201 = arith.constant 7 : index
    %swap3A_202 = vector.load %arg8[%swap3A_199, %swap3A_200, %swap3A_201] : memref<1x128x16xi32, #tpu.memory_space<vmem>>, vector<1x128x1xi32>
    %swap3A_203 = vector.shape_cast %swap3A_202 : vector<1x128x1xi32> to vector<128x1xi32>
    %swap3A_204 = vector.shape_cast %broadcast_in_dim3A_198 : vector<128x1xi32> to vector<1x128x1xi32>
    tpu.vector_store %arg8[%swap3A_199, %swap3A_200, %swap3A_201], %swap3A_204 {strides = array<i32>} : memref<1x128x16xi32, #tpu.memory_space<vmem>>, vector<1x128x1xi32>,
    %eq3A_205 = vector.broadcast %broadcast_in_dim3A_198 : vector<128x1xi32> to vector<128x4096xi32>
    %eq3A_206 = arith.cmpi eq, %iota3A, %eq3A_205 : vector<128x4096xi32>
    %jit3A_207 = arith.constant 0x7F800000 : f32
    %broadcast_in_dim3A_208 = vector.broadcast %jit3A_207 : f32 to vector<128x4096xf32>
    %select_n3A_209 = arith.select %eq3A_206, %broadcast_in_dim3A_208, %select_n3A_187 : vector<128x4096xi1>, vector<128x4096xf32>
    %reduce_min3A_210 = arith.constant dense<0x7F800000> : vector<128xf32>
    %reduce_min3A_211 = vector.multi_reduction <minimumf>, %select_n3A_209, %reduce_min3A_210 [1] : vector<128x4096xf32> to vector<128xf32>
    %broadcast_in_dim3A_212 = vector.shape_cast %reduce_min3A_211 : vector<128xf32> to vector<128x1xf32>
    %eq3A_213 = vector.broadcast %broadcast_in_dim3A_212 : vector<128x1xf32> to vector<128x4096xf32>
    %eq3A_214 = arith.cmpf oeq, %select_n3A_209, %eq3A_213 : vector<128x4096xf32>
    %jit3A_215 = arith.constant 1073741824 : i32
    %broadcast_in_dim3A_216 = vector.broadcast %jit3A_215 : i32 to vector<128x4096xi32>
    %select_n3A_217 = arith.select %eq3A_214, %iota3A, %broadcast_in_dim3A_216 : vector<128x4096xi1>, vector<128x4096xi32>
    %reduce_min3A_218 = arith.constant dense<2147483647> : vector<128xi32>
    %reduce_min3A_219 = vector.multi_reduction <minsi>, %select_n3A_217, %reduce_min3A_218 [1] : vector<128x4096xi32> to vector<128xi32>
    %broadcast_in_dim3A_220 = vector.shape_cast %reduce_min3A_219 : vector<128xi32> to vector<128x1xi32>
    %swap3A_221 = arith.constant 0 : index
    %swap3A_222 = arith.constant 0 : index
    %swap3A_223 = arith.constant 8 : index
    %swap3A_224 = vector.load %arg8[%swap3A_221, %swap3A_222, %swap3A_223] : memref<1x128x16xi32, #tpu.memory_space<vmem>>, vector<1x128x1xi32>
    %swap3A_225 = vector.shape_cast %swap3A_224 : vector<1x128x1xi32> to vector<128x1xi32>
    %swap3A_226 = vector.shape_cast %broadcast_in_dim3A_220 : vector<128x1xi32> to vector<1x128x1xi32>
    tpu.vector_store %arg8[%swap3A_221, %swap3A_222, %swap3A_223], %swap3A_226 {strides = array<i32>} : memref<1x128x16xi32, #tpu.memory_space<vmem>>, vector<1x128x1xi32>,
    %eq3A_227 = vector.broadcast %broadcast_in_dim3A_220 : vector<128x1xi32> to vector<128x4096xi32>
    %eq3A_228 = arith.cmpi eq, %iota3A, %eq3A_227 : vector<128x4096xi32>
    %jit3A_229 = arith.constant 0x7F800000 : f32
    %broadcast_in_dim3A_230 = vector.broadcast %jit3A_229 : f32 to vector<128x4096xf32>
    %select_n3A_231 = arith.select %eq3A_228, %broadcast_in_dim3A_230, %select_n3A_209 : vector<128x4096xi1>, vector<128x4096xf32>
    %reduce_min3A_232 = arith.constant dense<0x7F800000> : vector<128xf32>
    %reduce_min3A_233 = vector.multi_reduction <minimumf>, %select_n3A_231, %reduce_min3A_232 [1] : vector<128x4096xf32> to vector<128xf32>
    %broadcast_in_dim3A_234 = vector.shape_cast %reduce_min3A_233 : vector<128xf32> to vector<128x1xf32>
    %eq3A_235 = vector.broadcast %broadcast_in_dim3A_234 : vector<128x1xf32> to vector<128x4096xf32>
    %eq3A_236 = arith.cmpf oeq, %select_n3A_231, %eq3A_235 : vector<128x4096xf32>
    %jit3A_237 = arith.constant 1073741824 : i32
    %broadcast_in_dim3A_238 = vector.broadcast %jit3A_237 : i32 to vector<128x4096xi32>
    %select_n3A_239 = arith.select %eq3A_236, %iota3A, %broadcast_in_dim3A_238 : vector<128x4096xi1>, vector<128x4096xi32>
    %reduce_min3A_240 = arith.constant dense<2147483647> : vector<128xi32>
    %reduce_min3A_241 = vector.multi_reduction <minsi>, %select_n3A_239, %reduce_min3A_240 [1] : vector<128x4096xi32> to vector<128xi32>
    %broadcast_in_dim3A_242 = vector.shape_cast %reduce_min3A_241 : vector<128xi32> to vector<128x1xi32>
    %swap3A_243 = arith.constant 0 : index
    %swap3A_244 = arith.constant 0 : index
    %swap3A_245 = arith.constant 9 : index
    %swap3A_246 = vector.load %arg8[%swap3A_243, %swap3A_244, %swap3A_245] : memref<1x128x16xi32, #tpu.memory_space<vmem>>, vector<1x128x1xi32>
    %swap3A_247 = vector.shape_cast %swap3A_246 : vector<1x128x1xi32> to vector<128x1xi32>
    %swap3A_248 = vector.shape_cast %broadcast_in_dim3A_242 : vector<128x1xi32> to vector<1x128x1xi32>
    tpu.vector_store %arg8[%swap3A_243, %swap3A_244, %swap3A_245], %swap3A_248 {strides = array<i32>} : memref<1x128x16xi32, #tpu.memory_space<vmem>>, vector<1x128x1xi32>,
    %eq3A_249 = vector.broadcast %broadcast_in_dim3A_242 : vector<128x1xi32> to vector<128x4096xi32>
    %eq3A_250 = arith.cmpi eq, %iota3A, %eq3A_249 : vector<128x4096xi32>
    %jit3A_251 = arith.constant 0x7F800000 : f32
    %broadcast_in_dim3A_252 = vector.broadcast %jit3A_251 : f32 to vector<128x4096xf32>
    %select_n3A_253 = arith.select %eq3A_250, %broadcast_in_dim3A_252, %select_n3A_231 : vector<128x4096xi1>, vector<128x4096xf32>
    %reduce_min3A_254 = arith.constant dense<0x7F800000> : vector<128xf32>
    %reduce_min3A_255 = vector.multi_reduction <minimumf>, %select_n3A_253, %reduce_min3A_254 [1] : vector<128x4096xf32> to vector<128xf32>
    %broadcast_in_dim3A_256 = vector.shape_cast %reduce_min3A_255 : vector<128xf32> to vector<128x1xf32>
    %eq3A_257 = vector.broadcast %broadcast_in_dim3A_256 : vector<128x1xf32> to vector<128x4096xf32>
    %eq3A_258 = arith.cmpf oeq, %select_n3A_253, %eq3A_257 : vector<128x4096xf32>
    %jit3A_259 = arith.constant 1073741824 : i32
    %broadcast_in_dim3A_260 = vector.broadcast %jit3A_259 : i32 to vector<128x4096xi32>
    %select_n3A_261 = arith.select %eq3A_258, %iota3A, %broadcast_in_dim3A_260 : vector<128x4096xi1>, vector<128x4096xi32>
    %reduce_min3A_262 = arith.constant dense<2147483647> : vector<128xi32>
    %reduce_min3A_263 = vector.multi_reduction <minsi>, %select_n3A_261, %reduce_min3A_262 [1] : vector<128x4096xi32> to vector<128xi32>
    %broadcast_in_dim3A_264 = vector.shape_cast %reduce_min3A_263 : vector<128xi32> to vector<128x1xi32>
    %swap3A_265 = arith.constant 0 : index
    %swap3A_266 = arith.constant 0 : index
    %swap3A_267 = arith.constant 10 : index
    %swap3A_268 = vector.load %arg8[%swap3A_265, %swap3A_266, %swap3A_267] : memref<1x128x16xi32, #tpu.memory_space<vmem>>, vector<1x128x1xi32>
    %swap3A_269 = vector.shape_cast %swap3A_268 : vector<1x128x1xi32> to vector<128x1xi32>
    %swap3A_270 = vector.shape_cast %broadcast_in_dim3A_264 : vector<128x1xi32> to vector<1x128x1xi32>
    tpu.vector_store %arg8[%swap3A_265, %swap3A_266, %swap3A_267], %swap3A_270 {strides = array<i32>} : memref<1x128x16xi32, #tpu.memory_space<vmem>>, vector<1x128x1xi32>,
    %eq3A_271 = vector.broadcast %broadcast_in_dim3A_264 : vector<128x1xi32> to vector<128x4096xi32>
    %eq3A_272 = arith.cmpi eq, %iota3A, %eq3A_271 : vector<128x4096xi32>
    %jit3A_273 = arith.constant 0x7F800000 : f32
    %broadcast_in_dim3A_274 = vector.broadcast %jit3A_273 : f32 to vector<128x4096xf32>
    %select_n3A_275 = arith.select %eq3A_272, %broadcast_in_dim3A_274, %select_n3A_253 : vector<128x4096xi1>, vector<128x4096xf32>
    %reduce_min3A_276 = arith.constant dense<0x7F800000> : vector<128xf32>
    %reduce_min3A_277 = vector.multi_reduction <minimumf>, %select_n3A_275, %reduce_min3A_276 [1] : vector<128x4096xf32> to vector<128xf32>
    %broadcast_in_dim3A_278 = vector.shape_cast %reduce_min3A_277 : vector<128xf32> to vector<128x1xf32>
    %eq3A_279 = vector.broadcast %broadcast_in_dim3A_278 : vector<128x1xf32> to vector<128x4096xf32>
    %eq3A_280 = arith.cmpf oeq, %select_n3A_275, %eq3A_279 : vector<128x4096xf32>
    %jit3A_281 = arith.constant 1073741824 : i32
    %broadcast_in_dim3A_282 = vector.broadcast %jit3A_281 : i32 to vector<128x4096xi32>
    %select_n3A_283 = arith.select %eq3A_280, %iota3A, %broadcast_in_dim3A_282 : vector<128x4096xi1>, vector<128x4096xi32>
    %reduce_min3A_284 = arith.constant dense<2147483647> : vector<128xi32>
    %reduce_min3A_285 = vector.multi_reduction <minsi>, %select_n3A_283, %reduce_min3A_284 [1] : vector<128x4096xi32> to vector<128xi32>
    %broadcast_in_dim3A_286 = vector.shape_cast %reduce_min3A_285 : vector<128xi32> to vector<128x1xi32>
    %swap3A_287 = arith.constant 0 : index
    %swap3A_288 = arith.constant 0 : index
    %swap3A_289 = arith.constant 11 : index
    %swap3A_290 = vector.load %arg8[%swap3A_287, %swap3A_288, %swap3A_289] : memref<1x128x16xi32, #tpu.memory_space<vmem>>, vector<1x128x1xi32>
    %swap3A_291 = vector.shape_cast %swap3A_290 : vector<1x128x1xi32> to vector<128x1xi32>
    %swap3A_292 = vector.shape_cast %broadcast_in_dim3A_286 : vector<128x1xi32> to vector<1x128x1xi32>
    tpu.vector_store %arg8[%swap3A_287, %swap3A_288, %swap3A_289], %swap3A_292 {strides = array<i32>} : memref<1x128x16xi32, #tpu.memory_space<vmem>>, vector<1x128x1xi32>,
    %eq3A_293 = vector.broadcast %broadcast_in_dim3A_286 : vector<128x1xi32> to vector<128x4096xi32>
    %eq3A_294 = arith.cmpi eq, %iota3A, %eq3A_293 : vector<128x4096xi32>
    %jit3A_295 = arith.constant 0x7F800000 : f32
    %broadcast_in_dim3A_296 = vector.broadcast %jit3A_295 : f32 to vector<128x4096xf32>
    %select_n3A_297 = arith.select %eq3A_294, %broadcast_in_dim3A_296, %select_n3A_275 : vector<128x4096xi1>, vector<128x4096xf32>
    %reduce_min3A_298 = arith.constant dense<0x7F800000> : vector<128xf32>
    %reduce_min3A_299 = vector.multi_reduction <minimumf>, %select_n3A_297, %reduce_min3A_298 [1] : vector<128x4096xf32> to vector<128xf32>
    %broadcast_in_dim3A_300 = vector.shape_cast %reduce_min3A_299 : vector<128xf32> to vector<128x1xf32>
    %eq3A_301 = vector.broadcast %broadcast_in_dim3A_300 : vector<128x1xf32> to vector<128x4096xf32>
    %eq3A_302 = arith.cmpf oeq, %select_n3A_297, %eq3A_301 : vector<128x4096xf32>
    %jit3A_303 = arith.constant 1073741824 : i32
    %broadcast_in_dim3A_304 = vector.broadcast %jit3A_303 : i32 to vector<128x4096xi32>
    %select_n3A_305 = arith.select %eq3A_302, %iota3A, %broadcast_in_dim3A_304 : vector<128x4096xi1>, vector<128x4096xi32>
    %reduce_min3A_306 = arith.constant dense<2147483647> : vector<128xi32>
    %reduce_min3A_307 = vector.multi_reduction <minsi>, %select_n3A_305, %reduce_min3A_306 [1] : vector<128x4096xi32> to vector<128xi32>
    %broadcast_in_dim3A_308 = vector.shape_cast %reduce_min3A_307 : vector<128xi32> to vector<128x1xi32>
    %swap3A_309 = arith.constant 0 : index
    %swap3A_310 = arith.constant 0 : index
    %swap3A_311 = arith.constant 12 : index
    %swap3A_312 = vector.load %arg8[%swap3A_309, %swap3A_310, %swap3A_311] : memref<1x128x16xi32, #tpu.memory_space<vmem>>, vector<1x128x1xi32>
    %swap3A_313 = vector.shape_cast %swap3A_312 : vector<1x128x1xi32> to vector<128x1xi32>
    %swap3A_314 = vector.shape_cast %broadcast_in_dim3A_308 : vector<128x1xi32> to vector<1x128x1xi32>
    tpu.vector_store %arg8[%swap3A_309, %swap3A_310, %swap3A_311], %swap3A_314 {strides = array<i32>} : memref<1x128x16xi32, #tpu.memory_space<vmem>>, vector<1x128x1xi32>,
    %eq3A_315 = vector.broadcast %broadcast_in_dim3A_308 : vector<128x1xi32> to vector<128x4096xi32>
    %eq3A_316 = arith.cmpi eq, %iota3A, %eq3A_315 : vector<128x4096xi32>
    %jit3A_317 = arith.constant 0x7F800000 : f32
    %broadcast_in_dim3A_318 = vector.broadcast %jit3A_317 : f32 to vector<128x4096xf32>
    %select_n3A_319 = arith.select %eq3A_316, %broadcast_in_dim3A_318, %select_n3A_297 : vector<128x4096xi1>, vector<128x4096xf32>
    %reduce_min3A_320 = arith.constant dense<0x7F800000> : vector<128xf32>
    %reduce_min3A_321 = vector.multi_reduction <minimumf>, %select_n3A_319, %reduce_min3A_320 [1] : vector<128x4096xf32> to vector<128xf32>
    %broadcast_in_dim3A_322 = vector.shape_cast %reduce_min3A_321 : vector<128xf32> to vector<128x1xf32>
    %eq3A_323 = vector.broadcast %broadcast_in_dim3A_322 : vector<128x1xf32> to vector<128x4096xf32>
    %eq3A_324 = arith.cmpf oeq, %select_n3A_319, %eq3A_323 : vector<128x4096xf32>
    %jit3A_325 = arith.constant 1073741824 : i32
    %broadcast_in_dim3A_326 = vector.broadcast %jit3A_325 : i32 to vector<128x4096xi32>
    %select_n3A_327 = arith.select %eq3A_324, %iota3A, %broadcast_in_dim3A_326 : vector<128x4096xi1>, vector<128x4096xi32>
    %reduce_min3A_328 = arith.constant dense<2147483647> : vector<128xi32>
    %reduce_min3A_329 = vector.multi_reduction <minsi>, %select_n3A_327, %reduce_min3A_328 [1] : vector<128x4096xi32> to vector<128xi32>
    %broadcast_in_dim3A_330 = vector.shape_cast %reduce_min3A_329 : vector<128xi32> to vector<128x1xi32>
    %swap3A_331 = arith.constant 0 : index
    %swap3A_332 = arith.constant 0 : index
    %swap3A_333 = arith.constant 13 : index
    %swap3A_334 = vector.load %arg8[%swap3A_331, %swap3A_332, %swap3A_333] : memref<1x128x16xi32, #tpu.memory_space<vmem>>, vector<1x128x1xi32>
    %swap3A_335 = vector.shape_cast %swap3A_334 : vector<1x128x1xi32> to vector<128x1xi32>
    %swap3A_336 = vector.shape_cast %broadcast_in_dim3A_330 : vector<128x1xi32> to vector<1x128x1xi32>
    tpu.vector_store %arg8[%swap3A_331, %swap3A_332, %swap3A_333], %swap3A_336 {strides = array<i32>} : memref<1x128x16xi32, #tpu.memory_space<vmem>>, vector<1x128x1xi32>,
    %eq3A_337 = vector.broadcast %broadcast_in_dim3A_330 : vector<128x1xi32> to vector<128x4096xi32>
    %eq3A_338 = arith.cmpi eq, %iota3A, %eq3A_337 : vector<128x4096xi32>
    %jit3A_339 = arith.constant 0x7F800000 : f32
    %broadcast_in_dim3A_340 = vector.broadcast %jit3A_339 : f32 to vector<128x4096xf32>
    %select_n3A_341 = arith.select %eq3A_338, %broadcast_in_dim3A_340, %select_n3A_319 : vector<128x4096xi1>, vector<128x4096xf32>
    %reduce_min3A_342 = arith.constant dense<0x7F800000> : vector<128xf32>
    %reduce_min3A_343 = vector.multi_reduction <minimumf>, %select_n3A_341, %reduce_min3A_342 [1] : vector<128x4096xf32> to vector<128xf32>
    %broadcast_in_dim3A_344 = vector.shape_cast %reduce_min3A_343 : vector<128xf32> to vector<128x1xf32>
    %eq3A_345 = vector.broadcast %broadcast_in_dim3A_344 : vector<128x1xf32> to vector<128x4096xf32>
    %eq3A_346 = arith.cmpf oeq, %select_n3A_341, %eq3A_345 : vector<128x4096xf32>
    %jit3A_347 = arith.constant 1073741824 : i32
    %broadcast_in_dim3A_348 = vector.broadcast %jit3A_347 : i32 to vector<128x4096xi32>
    %select_n3A_349 = arith.select %eq3A_346, %iota3A, %broadcast_in_dim3A_348 : vector<128x4096xi1>, vector<128x4096xi32>
    %reduce_min3A_350 = arith.constant dense<2147483647> : vector<128xi32>
    %reduce_min3A_351 = vector.multi_reduction <minsi>, %select_n3A_349, %reduce_min3A_350 [1] : vector<128x4096xi32> to vector<128xi32>
    %broadcast_in_dim3A_352 = vector.shape_cast %reduce_min3A_351 : vector<128xi32> to vector<128x1xi32>
    %swap3A_353 = arith.constant 0 : index
    %swap3A_354 = arith.constant 0 : index
    %swap3A_355 = arith.constant 14 : index
    %swap3A_356 = vector.load %arg8[%swap3A_353, %swap3A_354, %swap3A_355] : memref<1x128x16xi32, #tpu.memory_space<vmem>>, vector<1x128x1xi32>
    %swap3A_357 = vector.shape_cast %swap3A_356 : vector<1x128x1xi32> to vector<128x1xi32>
    %swap3A_358 = vector.shape_cast %broadcast_in_dim3A_352 : vector<128x1xi32> to vector<1x128x1xi32>
    tpu.vector_store %arg8[%swap3A_353, %swap3A_354, %swap3A_355], %swap3A_358 {strides = array<i32>} : memref<1x128x16xi32, #tpu.memory_space<vmem>>, vector<1x128x1xi32>,
    %eq3A_359 = vector.broadcast %broadcast_in_dim3A_352 : vector<128x1xi32> to vector<128x4096xi32>
    %eq3A_360 = arith.cmpi eq, %iota3A, %eq3A_359 : vector<128x4096xi32>
    %jit3A_361 = arith.constant 0x7F800000 : f32
    %broadcast_in_dim3A_362 = vector.broadcast %jit3A_361 : f32 to vector<128x4096xf32>
    %select_n3A_363 = arith.select %eq3A_360, %broadcast_in_dim3A_362, %select_n3A_341 : vector<128x4096xi1>, vector<128x4096xf32>
    %reduce_min3A_364 = arith.constant dense<0x7F800000> : vector<128xf32>
    %reduce_min3A_365 = vector.multi_reduction <minimumf>, %select_n3A_363, %reduce_min3A_364 [1] : vector<128x4096xf32> to vector<128xf32>
    %broadcast_in_dim3A_366 = vector.shape_cast %reduce_min3A_365 : vector<128xf32> to vector<128x1xf32>
    %eq3A_367 = vector.broadcast %broadcast_in_dim3A_366 : vector<128x1xf32> to vector<128x4096xf32>
    %eq3A_368 = arith.cmpf oeq, %select_n3A_363, %eq3A_367 : vector<128x4096xf32>
    %jit3A_369 = arith.constant 1073741824 : i32
    %broadcast_in_dim3A_370 = vector.broadcast %jit3A_369 : i32 to vector<128x4096xi32>
    %select_n3A_371 = arith.select %eq3A_368, %iota3A, %broadcast_in_dim3A_370 : vector<128x4096xi1>, vector<128x4096xi32>
    %reduce_min3A_372 = arith.constant dense<2147483647> : vector<128xi32>
    %reduce_min3A_373 = vector.multi_reduction <minsi>, %select_n3A_371, %reduce_min3A_372 [1] : vector<128x4096xi32> to vector<128xi32>
    %broadcast_in_dim3A_374 = vector.shape_cast %reduce_min3A_373 : vector<128xi32> to vector<128x1xi32>
    %swap3A_375 = arith.constant 0 : index
    %swap3A_376 = arith.constant 0 : index
    %swap3A_377 = arith.constant 15 : index
    %swap3A_378 = vector.load %arg8[%swap3A_375, %swap3A_376, %swap3A_377] : memref<1x128x16xi32, #tpu.memory_space<vmem>>, vector<1x128x1xi32>
    %swap3A_379 = vector.shape_cast %swap3A_378 : vector<1x128x1xi32> to vector<128x1xi32>
    %swap3A_380 = vector.shape_cast %broadcast_in_dim3A_374 : vector<128x1xi32> to vector<1x128x1xi32>
    tpu.vector_store %arg8[%swap3A_375, %swap3A_376, %swap3A_377], %swap3A_380 {strides = array<i32>} : memref<1x128x16xi32, #tpu.memory_space<vmem>>, vector<1x128x1xi32>,
    return
  }
  func.func @transform_0(%arg0: i32, %arg1: i32) -> (i32, i32, i32) {
    %c0_i32 = arith.constant 0 : i32
    %c0_i32_0 = arith.constant 0 : i32
    return %arg0, %arg1, %c0_i32 : i32, i32, i32
  }
  func.func @transform_1(%arg0: i32, %arg1: i32) -> (i32, i32, i32) {
    %c0_i32 = arith.constant 0 : i32
    %c0_i32_0 = arith.constant 0 : i32
    return %arg0, %arg1, %c0_i32 : i32, i32, i32
  }
  func.func @transform_2(%arg0: i32, %arg1: i32) -> (i32, i32, i32) {
    %c0_i32 = arith.constant 0 : i32
    %c0_i32_0 = arith.constant 0 : i32
    return %arg0, %arg1, %c0_i32 : i32, i32, i32
  }
  func.func @transform_3(%arg0: i32, %arg1: i32) -> (i32, i32, i32) {
    %c0_i32 = arith.constant 0 : i32
    %c0_i32_0 = arith.constant 0 : i32
    %c0_i32_1 = arith.constant 0 : i32
    return %arg0, %c0_i32, %c0_i32_0 : i32, i32, i32
  }
  func.func @transform_4(%arg0: i32, %arg1: i32) -> (i32, i32, i32) {
    %c0_i32 = arith.constant 0 : i32
    %c0_i32_0 = arith.constant 0 : i32
    %c0_i32_1 = arith.constant 0 : i32
    return %arg0, %c0_i32, %c0_i32_0 : i32, i32, i32
  }
  func.func @transform_5(%arg0: i32, %arg1: i32) -> (i32, i32, i32) {
    %c0_i32 = arith.constant 0 : i32
    %c0_i32_0 = arith.constant 0 : i32
    %c0_i32_1 = arith.constant 0 : i32
    return %arg0, %c0_i32, %c0_i32_0 : i32, i32, i32
  }
  func.func @transform_6(%arg0: i32, %arg1: i32) -> (i32, i32, i32) {
    %c0_i32 = arith.constant 0 : i32
    %c0_i32_0 = arith.constant 0 : i32
    return %arg0, %arg1, %c0_i32 : i32, i32, i32
  }
}

module attributes {stable_mosaic.version = 14 : i64} {
  func.func @_matmul_kernel(%arg0: i32, %arg1: memref<1024x256xf32, #tpu.memory_space<vmem>>, %arg2: memref<1024x8xf32, #tpu.memory_space<vmem>>, %arg3: memref<256x512xf32, #tpu.memory_space<vmem>>, %arg4: memref<8x512xf32, #tpu.memory_space<vmem>>, %arg5: memref<1024x512xf32, #tpu.memory_space<vmem>>) attributes {dimension_semantics = [#tpu.dimension_semantics<arbitrary>], iteration_bounds = array<i64: 16>, scalar_prefetch = 0 : i64, scratch_operands = 0 : i64, tpu.core_type = #tpu.core_type<tc>, window_params = [{transform_indices = @transform_0, window_bounds = array<i64: 1024, 256>}, {transform_indices = @transform_1, window_bounds = array<i64: 1024, 8>}, {pipeline_mode = #tpu.pipeline_mode<synchronous>, transform_indices = @transform_2, window_bounds = array<i64: 256, 512>}, {pipeline_mode = #tpu.pipeline_mode<synchronous>, transform_indices = @transform_3, window_bounds = array<i64: 8, 512>}, {transform_indices = @transform_4, window_bounds = array<i64: 1024, 512>}]} {
    %get3A = arith.constant 0 : index
    %get3A_0 = arith.constant 0 : index
    %get3A_1 = vector.load %arg1[%get3A, %get3A_0] : memref<1024x256xf32, #tpu.memory_space<vmem>>, vector<1024x256xf32>
    %get3A_2 = arith.constant 0 : index
    %get3A_3 = arith.constant 0 : index
    %get3A_4 = vector.load %arg3[%get3A_2, %get3A_3] : memref<256x512xf32, #tpu.memory_space<vmem>>, vector<256x512xf32>
    %dot_general3A = arith.constant dense<0.000000e+00> : vector<1024x512xf32>
    %dot_general3A_5 = tpu.matmul %get3A_1, %get3A_4, %dot_general3A {dimension_numbers = #tpu.dot_dimension_numbers<[1], [0], [0], [1], [0, 0, 1, 1], [], []>, transpose_lhs_hint = false} : vector<1024x256xf32>, vector<256x512xf32>, vector<1024x512xf32> -> vector<1024x512xf32>
    %get3A_6 = arith.constant 0 : index
    %get3A_7 = arith.constant 0 : index
    %get3A_8 = vector.load %arg2[%get3A_6, %get3A_7] : memref<1024x8xf32, #tpu.memory_space<vmem>>, vector<1024x8xf32>
    %get3A_9 = arith.constant 0 : index
    %get3A_10 = arith.constant 0 : index
    %get3A_11 = vector.load %arg4[%get3A_9, %get3A_10] : memref<8x512xf32, #tpu.memory_space<vmem>>, vector<8x512xf32>
    %dot_general3A_12 = arith.constant dense<0.000000e+00> : vector<1024x512xf32>
    %dot_general3A_13 = tpu.matmul %get3A_8, %get3A_11, %dot_general3A_12 {dimension_numbers = #tpu.dot_dimension_numbers<[1], [0], [0], [1], [0, 0, 1, 1], [], []>, transpose_lhs_hint = false} : vector<1024x8xf32>, vector<8x512xf32>, vector<1024x512xf32> -> vector<1024x512xf32>
    %add3A = arith.addf %dot_general3A_5, %dot_general3A_13 : vector<1024x512xf32>
    %swap3A = arith.constant 0 : index
    %swap3A_14 = arith.constant 0 : index
    %swap3A_15 = vector.load %arg5[%swap3A, %swap3A_14] : memref<1024x512xf32, #tpu.memory_space<vmem>>, vector<1024x512xf32>
    tpu.vector_store %arg5[%swap3A, %swap3A_14], %add3A {strides = array<i32>} : memref<1024x512xf32, #tpu.memory_space<vmem>>, vector<1024x512xf32>,
    return
  }
  func.func @transform_0(%arg0: i32) -> (i32, i32) {
    %c0_i32 = arith.constant 0 : i32
    %c0_i32_0 = arith.constant 0 : i32
    return %arg0, %c0_i32 : i32, i32
  }
  func.func @transform_1(%arg0: i32) -> (i32, i32) {
    %c0_i32 = arith.constant 0 : i32
    %c0_i32_0 = arith.constant 0 : i32
    return %arg0, %c0_i32 : i32, i32
  }
  func.func @transform_2(%arg0: i32) -> (i32, i32) {
    %c0_i32 = arith.constant 0 : i32
    %c0_i32_0 = arith.constant 0 : i32
    %c0_i32_1 = arith.constant 0 : i32
    return %c0_i32, %c0_i32_0 : i32, i32
  }
  func.func @transform_3(%arg0: i32) -> (i32, i32) {
    %c0_i32 = arith.constant 0 : i32
    %c0_i32_0 = arith.constant 0 : i32
    %c0_i32_1 = arith.constant 0 : i32
    return %c0_i32, %c0_i32_0 : i32, i32
  }
  func.func @transform_4(%arg0: i32) -> (i32, i32) {
    %c0_i32 = arith.constant 0 : i32
    %c0_i32_0 = arith.constant 0 : i32
    return %arg0, %c0_i32 : i32, i32
  }
}

</mosaic_0001>

<sc_bundles>
// kernel: kernel.6.cloned.1.call-start
scs
__scs_entry_jumppad:
0x0: {  	(pc) =	sbr.rel $0x88, $3  }
0x1: {  	(tag) =	ssettag $0x0;
	lr =	simm.s32 $0x1  }
0x2: {  	[smem:$0x3F9B] =	sst lr;
	_ =	strace $0xD0000000  }
0x3: {  	_ = 	snop  }
0x4: {  	_ = 	snop  }
0x5: {  	_ = 	snop  }
0x6: {  	_ = 	snop  }
0x7: {  	_ = 	snop  }
__scs_overlays_trampoline_lowered:
0x8: {  	[smem:$0x3FAA] =	sst s0  }
0x9: {  	[smem:$0x3FAB] =	sst s1  }
0xa: {  	[smem:$0x3FAC] =	sst s2  }
0xb: {  	[smem:$0x3FAD] =	sst s3  }
0xc: {  	[smem:$0x3FAE] =	sst s4  }
0xd: {  	[smem:$0x3FAF] =	sst s5  }
0xe: {  	[smem:$0x3FB0] =	sst s6  }
0xf: {  	[smem:$0x3FB1] =	sst s7  }
0x10: {  	[smem:$0x3FB2] =	sst s8  }
0x11: {  	[smem:$0x3FB3] =	sst s9;
	s0 =	simm.s32 @!p0 $0x0  }
0x12: {  	s1 =	sld [smem:$0x3F99];
	s0 =	simm.s32 @p0 $0x1  }
0x13: {  	[smem:$0x3FB4] =	sst s0;
	s0 =	simm.s32 @!p1 $0x0  }
0x14: {  	s2 =	sld [smem:$0x3F98];
	s0 =	simm.s32 @p1 $0x1  }
0x15: {  	[smem:$0x3FB5] =	sst s0;
	s0 =	simm.s32 @!p2 $0x0  }
0x16: {  	s3 =	sld [smem:$0x3FDB];
	s0 =	simm.s32 @p2 $0x1  }
0x17: {  	s4 =	simm.s32 $0x1BF5;
	[smem:$0x3FB7] =	sst s0  }
0x18: {  	s0 =	sld [smem:$0x3F9A];
	_ =	swait.ge [sflag:s4], $0x0  }
0x19: {  	s7 =	sld [smem:$0x3F9B]  }
0x1a: {  	s8 =	sadd.s32 $0xFFFFE003, lr  }
0x1b: {  	s9 =	sadd.s32 $0xFFFFFEF7, lr;
	s5 =	simm.s32 $0xFFFFFFFF;
	p2 =	slt.u32 s8, $0xFFFFF086  }
0x1c: {  	p1 =	slt.u32 s9, $0xF7A;
	s5 =	simm.s32 @!p2 $0x0  }
0x1d: {  	s5 =	simm.s32 @p1 $0x1;
	p0 =	seq.s32 s7, s2  }
0x1e: {  	s7 =	smul.u32 @!p0 $0xF7A, s2;
	p2 =	seq.s32 @!p0 s5, $0x0  }
0x1f: {  	s9 =	smul.u32 $0xF7A, s1;
	s8 =	simm.s32 @!p0 $0x1BF5;
	p2 =	por !p2, p0  }
0x20: {  	[sflag:s8] =	ssyncset.s32 @!p0 $0xFFFFF086;
	s6 =	sadd.s32 @!p0 s3, s7;
	s7 =	simm.s32 @!p0 $0x108  }
0x21: {  	s3 =	sadd.s32 s3, s9;
	s6 =	sadd.s32 @!p0 $0x88, s6;
	s7 =	simm.s32 @p2 $0x1082  }
0x22: {  	[simem:s7], [sflag:s8] =	dma.local @!p0 [hbm:s6], $0xF7A  }
0x23: {  	s9 =	sor.u32 $0xD0000000, s2;
	s6 =	simm.s32 $0x108;
	_ =	swait.ge @!p0 [sflag:s8], $0x0  }
0x24: {  	s3 =	sadd.s32 $0x88, s3;
	s6 =	simm.s32 @!p1 $0x1082;
	[sflag:s4] =	ssyncset.s32 $0xFFFFF086  }
0x25: {  	[simem:s6], [sflag:s4] =	dma.local [hbm:s3], $0xF7A  }
0x26: {  	[smem:$0x3F9B] =	sst s1;
	(tag) =	ssettag s2;
	_ =	strace s9  }
0x27: {  	s1 =	sld [smem:$0x3FAB]  }
0x28: {  	s2 =	sld [smem:$0x3FAC]  }
0x29: {  	s4 =	sld [smem:$0x3FAE]  }
0x2a: {  	p0 =	seq.s32 s5, $0x0;
	s5 =	sld [smem:$0x3FAF]  }
0x2b: {  	s6 =	sld [smem:$0x3FB0]  }
0x2c: {  	s7 =	sld [smem:$0x3FB1]  }
0x2d: {  	s3 =	simm.s32 $0x108;
	s8 =	sld [smem:$0x3FB2]  }
0x2e: {  	s3 =	simm.s32 @!p0 $0x1082;
	s9 =	sld [smem:$0x3FB3]  }
0x2f: {  	lr =	sadd.s32 s0, s3;
	s0 =	sld [smem:$0x3FAA]  }
0x30: {  	s3 =	sld [smem:$0x3FAD]  }
0x31: {  	[smem:$0x3FB6] =	sst s10  }
0x32: {  	s10 =	sld [smem:$0x3FB4];
	_ =	sdelay $0x3  }
0x33: {  	p0 =	seq.s32 s10, $0x1;
	s10 =	sld [smem:$0x3FB6];
	_ =	sdelay $0x3  }
0x34: {  	[smem:$0x3FB6] =	sst s10  }
0x35: {  	s10 =	sld [smem:$0x3FB5];
	_ =	sdelay $0x3  }
0x36: {  	p1 =	seq.s32 s10, $0x1;
	s10 =	sld [smem:$0x3FB6];
	_ =	sdelay $0x3  }
0x37: {  	[smem:$0x3FB6] =	sst s10  }
0x38: {  	s10 =	sld [smem:$0x3FB7]  }
0x39: {  	_ = 	snop;
	(pc) =	sbr.ind lr, $3  }
0x3a: {  	_ = 	snop  }
0x3b: {  	_ = 	snop  }
0x3c: {  	p2 =	seq.s32 s10, $0x1;
	s10 =	sld [smem:$0x3FB6]  }
0x3d: {  	_ =	shalt  }
0x3e: {  	_ =	shalt  }
0x3f: {  	_ =	shalt  }
0x40: {  	_ =	shalt  }
0x41: {  	_ =	shalt  }
0x42: {  	_ =	shalt  }
0x43: {  	_ =	shalt  }
0x44: {  	_ =	shalt  }
0x45: {  	_ =	shalt  }
0x46: {  	_ =	shalt  }
0x47: {  	_ =	shalt  }
0x48: {  	_ =	shalt  }
0x49: {  	_ =	shalt  }
0x4a: {  	_ =	shalt  }
0x4b: {  	_ =	shalt  }
0x4c: {  	_ =	shalt  }
0x4d: {  	_ =	shalt  }
0x4e: {  	_ =	shalt  }
0x4f: {  	_ =	shalt  }
0x50: {  	_ =	shalt  }
0x51: {  	_ =	shalt  }
0x52: {  	_ =	shalt  }
0x53: {  	_ =	shalt  }
0x54: {  	_ =	shalt  }
0x55: {  	_ =	shalt  }
0x56: {  	_ =	shalt  }
0x57: {  	_ =	shalt  }
0x58: {  	_ =	shalt  }
0x59: {  	_ =	shalt  }
0x5a: {  	_ =	shalt  }
0x5b: {  	_ =	shalt  }
0x5c: {  	_ =	shalt  }
0x5d: {  	_ =	shalt  }
0x5e: {  	_ =	shalt  }
0x5f: {  	_ =	shalt  }
0x60: {  	_ =	shalt  }
0x61: {  	_ =	shalt  }
0x62: {  	_ =	shalt  }
0x63: {  	_ =	shalt  }
0x64: {  	_ =	shalt  }
0x65: {  	_ =	shalt  }
0x66: {  	_ =	shalt  }
0x67: {  	_ =	shalt  }
0x68: {  	_ =	shalt  }
0x69: {  	_ =	shalt  }
0x6a: {  	_ =	shalt  }
0x6b: {  	_ =	shalt  }
0x6c: {  	_ =	shalt  }
0x6d: {  	_ =	shalt  }
0x6e: {  	_ =	shalt  }
0x6f: {  	_ =	shalt  }
0x70: {  	_ =	shalt  }
0x71: {  	_ =	shalt  }
0x72: {  	_ =	shalt  }
0x73: {  	_ =	shalt  }
0x74: {  	_ =	shalt  }
0x75: {  	_ =	shalt  }
0x76: {  	_ =	shalt  }
0x77: {  	_ =	shalt  }
0x78: {  	_ =	shalt  }
0x79: {  	_ =	shalt  }
0x7a: {  	_ =	shalt  }
0x7b: {  	_ =	shalt  }
0x7c: {  	_ =	shalt  }
0x7d: {  	_ =	shalt  }
0x7e: {  	_ =	shalt  }
0x7f: {  	_ =	shalt  }
0x80: {  	_ =	shalt  }
0x81: {  	_ =	shalt  }
0x82: {  	_ =	shalt  }
0x83: {  	_ =	shalt  }
0x84: {  	_ =	shalt  }
0x85: {  	_ =	shalt  }
0x86: {  	_ =	shalt  }
0x87: {  	_ =	shalt  }
.Lfunc_end0:
.L_simem_size_0:
called_computation_lowered:
.L_overlay_start_0:
0x88: {  	s2 =	sld [smem:$0x3FD9]  }
0x89: {  	s3 =	sld [smem:$0x3FFE];
	_ =	sdelay $0x1  }
0x8a: {  	s1 =	srdreg.scid  }
0x8b: {  	s0 =	sand.u32 $0x1, s1  }
0x8c: {  	s14 =	sshll.u32 s0, $0xA;
	s2 =	sadd.s32 s3, s2  }
0x8d: {  	s2 =	sadd.s32 s2, s14  }
0x8e: {  	[smem:$0x3FC2] =	sst s2  }
0x8f: {  	_ = 	snop  }
0x90: {  	s2 =	sld [smem:$0x3FD0];
	_ =	sdelay $0x2  }
0x91: {  	s15 =	simm.s32 $0xA;
	s4 =	simm.s32 $0x10  }
0x92: {  	[smem:s4], [sflag:s15] =	dma.local [hbm:s2], $0x1  }
0x93: {  	_ =	swait.eq [sflag:s15], $0x1  }
0x94: {  	[sflag:s15] =	ssyncset.done $0x0  }
0x95: {  	[sflag:s15] =	ssyncadd.s32 $0xFFFFFFFF  }
0x96: {  	s16 =	sld [smem:$0x11];
	(tm) =	ssettm $0x1  }
0x97: {  	s17 =	sld [smem:$0x3FFB];
	_ =	sdelay $0x3  }
0x98: {  	_ =	strace s17  }
0x99: {  	s3 =	sld [smem:$0x3FFC];
	_ =	sdelay $0x3  }
0x9a: {  	_ =	strace s3  }
0x9b: {  	s3 =	sld [smem:$0x3FFD];
	_ =	sdelay $0x3  }
0x9c: {  	_ =	strace s3  }
0x9d: {  	_ =	strace $0x8FFFFFFF  }
0x9e: {  	s18 =	sld [smem:$0x3FDB];
	_ =	sdelay $0x1  }
0x9f: {  	s19 =	simm.s32 $_scs_section_size  }
0xa0: {  	s5 =	simm.s32 $_size__tile_overlayer_lowered;
	s6 =	simm.s32 $_tile_overlayer_lowered  }
0xa1: {  	s22 =	simm.s32 $0x1BFF;
	s21 =	sshll.u32 s6, $0x1;
	s3 =	sadd.s32 s19, s18  }
0xa2: {  	s7 =	simm.s32 $0x0;
	s20 =	sshll.u32 s5, $0x1;
	s5 =	sadd.s32 s21, s3  }
0xa3: {  	[timem:s7], [sflag:s22] =	dma.local [hbm:s5], s20  }
0xa4: {  	_ =	swait.ge [sflag:s22], s20  }
0xa5: {  	s4 =	ssub.s32 $0x0, s20;
	[sflag:s22] =	ssyncset.done $0x0  }
0xa6: {  	[sflag:s22] =	ssyncadd.s32 s4;
	_ =	sdelay $0x1  }
0xa7: {  	s23 =	simm.s32 $0x1B8B  }
0xa8: {  	_ =	swait.ge [sflag:s23], $0x1  }
0xa9: {  	[sflag:s23] =	ssyncset.done $0x0  }
0xaa: {  	s25 =	simm.s32 $0x1B8E;
	s24 =	sld [smem:$0x3FFE];
	[sflag:s23] =	ssyncadd.s32 $0xFFFFFFFF  }
0xab: {  	s26 =	simm.s32 $execute0_lowered;
	[smem:$0x3FD2] =	sst s25  }
0xac: {  	s5 =	sshll.u32 s26, $0x1;
	_ =	strace $0x80000046;
	[dreg:$0x1] =	wrdreg $0xFFFFFFFF  }
0xad: {  	s28 =	simm.s32 $_size_execute0_lowered;
	s3 =	sadd.s32 s3, s5;
	[dreg:$0x0] =	wrdreg $0x0  }
0xae: {  	s5 =	sshll.u32 s28, $0x1;
	[dreg:$0x2] =	wrdreg s3  }
0xaf: {  	[dreg:$0x3] =	wrdreg s5  }
0xb0: {  	[dreg:$0x4] =	wrdreg $0xC0  }
0xb1: {  	_ =	task [dreg:s7], $0x5FFFF  }
0xb2: {  	[dreg:$0x1] =	wrdreg $0xFFFFFFFF  }
0xb3: {  	[dreg:$0x0] =	wrdreg $0x60  }
0xb4: {  	[dreg:$0x2] =	wrdreg s24  }
0xb5: {  	[dreg:$0x3] =	wrdreg s16  }
0xb6: {  	[dreg:$0x4] =	wrdreg $0x9  }
0xb7: {  	_ =	task.clear_ibuf [dreg:s7], $0x5FFFF;
	_ =	strace $0x90000046  }
0xb8: {  	s29 =	simm.s32 $0x9;
	_ =	strace $0x80000048  }
0xb9: {  	_ =	swait.ge [sflag:s29], $0x1  }
0xba: {  	[sflag:s29] =	ssyncadd.s32 $0xFFFFFFFF  }
0xbb: {  	_ =	strace $0x90000048  }
0xbc: {  	_ =	sfence  }
0xbd: {  	s30 =	sld [smem:$0x0];
	_ =	sdelay $0x2  }
0xbe: {  	s31 =	sshll.u32 s1, $0xD;
	s1 =	sshrl.u32 s1, $0x2  }
0xbf: {  	s3 =	sand.u32 $0x4000, s31;
	s1 =	sadd.s32 s1, s30  }
0xc0: {  	s0 =	sor.u32 s3, s0;
	s1 =	sshll.u32 s1, $0x11  }
0xc1: {  	s0 =	sor.u32 s1, s0  }
0xc2: {  	s0 =	sadd.s32 $0x8F2B, s0  }
0xc3: {  	[sflag:s0] =	ssyncadd.remote.s32 $0x1  }
0xc4: {  	_ =	sfence.sel $0xFFFF  }
0xc5: {  	[dreg:$0x0] =	wrdreg $0xFFFFFFFF;
	(pc) =	sbr.abs _section_cstart, $3  }
0xc6: {  	[dreg:$0x1] =	wrdreg $0xFFFFFFFF  }
0xc7: {  	_ =	task.clear_ibuf [dreg:s7], $0x2FFFF;
	_ =	strace $0x9FFFFFFF  }
0xc8: {  	(tm) =	ssettm $0x7FFFFFFF  }
0xc9: {  	_ =	shalt  }
tec
execute0_lowered:
.L_overlay_start_1:
0x0: {  	(tag) =	ssettag $0x1  }
0x1: {  	s0 =	rddreg [dreg:$0x0]  }
0x2: {  	s2 =	rddreg [dreg:$0x1]  }
0x3: {  	s1 =	simm.s32 $0x0;
	s5 =	srdreg.scid;
	s7 =	stileid.u32  }
0x4: {  	s16 =	simm.s32 $0x5C00;
	s17 =	simm.s32 $0x6400;
	s18 =	simm.s32 $0x6C00  }
0x5: {  	s19 =	simm.s32 $0x7400;
	s20 =	simm.s32 $0x7C00;
	s21 =	simm.s32 $0x1  }
0x6: {  	s22 =	simm.s32 $0x2;
	s23 =	simm.s32 $0x0;
	[smem:$0x7FF] =	sst s1  }
0x7: {  	s3 =	sadd.s32 $0x2800, s0;
	s4 =	sadd.s32 $0x18A800, s0;
	s6 =	sand.u32 $0x1, s5  }
0x8: {  	s7 =	sshll.u32 s7, $0x1;
	s5 =	sadd.s32 $0x1CE800, s0;
	_ =	strace $0x80000047  }
0x9: {  	s8 =	ssub.s32 $0x2, s6;
	s9 =	sor.u32 s6, s7;
	s6 =	sadd.s32 $0x102800, s0  }
0xa: {  	v2 =	vlaneseq.u32;
	s7 =	sadd.s32 $0x146800, s0;
	s10 =	sshrl.u32 s8, $0x1;
	s11 =	smul.u32 $0x880, s9  }
0xb: {  	vm0 =	vmmov $0xffff;
	v1 =	vshrl.u32 v2, $0x3;
	s12 =	ssub.s32 s8, s10;
	s8 =	smul.u32 $0x88, s9;
	s10 =	sadd.s32 $0x2900, s0  }
0xc: {  	v0 =	vand.u32 $0x7, v2;
	v2 =	vor.u32 $0x8, v2;
	v1 =	vmul.u32 $0x8, v1;
	s9 =	sadd.s32 s2, s11;
	s11 =	smax.u32 s12, $0x1;
	s12 =	simm.s32 $0x3  }
.LBB2_1:
0xd: {  	[tilespmem:s1], [sflag:$0x3] =	stream.linear.gather [hbm4b:s9+s1], $0x4400, $0x38;
	[tilespmem:$0xC400] =	vst v63  }
0xe: {  	_ =	swait.ge [sflag:s12], $0x4400  }
0xf: {  	[sflag:s12] =	ssyncset.done $0x0  }
0x10: {  	[sflag:s12] =	ssyncadd.s32 $0xFFFFBC00  }
0x11: {  	v3 =	vld [tilespmem:$0x0];
	_ =	sdelay $0x4  }
0x12: {  	v4 =	vshll.u32 v3, $0x2  }
0x13: {  	v3 =	vand.u32 $0x7, v3;
	v4 =	vand.u32 $0xFFFFFFE0, v4  }
0x14: {  	v3 =	vor.u32 v3, v4  }
0x15: {  	v4 =	vperm.xlane v3, v0;
	_ =	sdelay $0x1  }
0x16: {  	v4 =	vadd.s32 v1, v4;
	_ =	sdelay $0x1  }
0x17: {  	v3 =	vperm.xlane v3, v2;
	_ =	sdelay $0x1  }
0x18: {  	s0 =	simm.s32 $0x4400;
	v3 =	vadd.s32 v1, v3  }
0x19: {  	[tilespmem:s0], [sflag:$0x1] =	stream.indirect_vreg.gather [hbm4b:s3+s1], $0x80, v4, vm0, $0xb8;
	[tilespmem:$0xC400] =	vst v63  }
0x1a: {  	s30 =	simm.s32 $0x4C00  }
0x1b: {  	[tilespmem:s30], [sflag:$0x1] =	stream.indirect_vreg.gather [hbm4b:s10+s1], $0x80, v4, vm0, $0xb8;
	[tilespmem:$0xC400] =	vst v63  }
0x1c: {  	s31 =	simm.s32 $0x5400  }
0x1d: {  	[tilespmem:s31], [sflag:$0x1] =	stream.indirect_vreg.gather [hbm4b:s3+s1], $0x80, v3, vm0, $0xb8;
	[tilespmem:$0xC400] =	vst v63  }
0x1e: {  	s24 =	simm.s32 $0x0  }
0x1f: {  	[tilespmem:s16], [sflag:$0x1] =	stream.indirect_vreg.gather [hbm4b:s10+s1], $0x80, v3, vm0, $0xb8;
	[tilespmem:$0xC400] =	vst v63  }
.LBB2_2:
0x20: {  	s25 =	sshllo.u32 s24, $0x1  }
0x21: {  	s0 =	sshll.u32 s25, $0x7  }
0x22: {  	s0 =	sand.u32 $0x3FFFFF80, s0  }
0x23: {  	v3 =	vld [tilespmem:s0+$0x0];
	_ =	sdelay $0x4  }
0x24: {  	v4 =	vshll.u32 v3, $0x2  }
0x25: {  	v3 =	vand.u32 $0x7, v3;
	v4 =	vand.u32 $0xFFFFFFE0, v4  }
0x26: {  	v3 =	vor.u32 v3, v4  }
0x27: {  	v4 =	vperm.xlane v3, v0;
	_ =	sdelay $0x1  }
0x28: {  	v4 =	vadd.s32 v1, v4;
	_ =	sdelay $0x1  }
0x29: {  	v3 =	vperm.xlane v3, v2;
	_ =	sdelay $0x1  }
0x2a: {  	s2 =	simm.s32 $0x0;
	v3 =	vadd.s32 v1, v3  }
0x2b: {  	[tilespmem:s17], [sflag:$0x2] =	stream.indirect_vreg.gather [hbm4b:s3+s2], $0x80, v4, vm0, $0xb8;
	[tilespmem:$0xC400] =	vst v63  }
0x2c: {  	_ = 	snop  }
0x2d: {  	[tilespmem:s18], [sflag:$0x2] =	stream.indirect_vreg.gather [hbm4b:s10+s2], $0x80, v4, vm0, $0xb8;
	[tilespmem:$0xC400] =	vst v63  }
0x2e: {  	_ = 	snop  }
0x2f: {  	[tilespmem:s19], [sflag:$0x2] =	stream.indirect_vreg.gather [hbm4b:s3+s2], $0x80, v3, vm0, $0xb8;
	[tilespmem:$0xC400] =	vst v63  }
0x30: {  	_ = 	snop  }
0x31: {  	[tilespmem:s20], [sflag:$0x2] =	stream.indirect_vreg.gather [hbm4b:s10+s2], $0x80, v3, vm0, $0xb8;
	[tilespmem:$0xC400] =	vst v63  }
0x32: {  	_ =	swait.ge [sflag:s21], $0x2000  }
0x33: {  	s15 =	sand.u32 $0x70, s2;
	s26 =	sand.u32 $0xC00, s2;
	[sflag:s21] =	ssyncset.done $0x0  }
0x34: {  	s0 =	sor.u32 s15, s26;
	[sflag:s21] =	ssyncadd.s32 $0xFFFFE000  }
0x35: {  	v3 =	vld [tilespmem:s0+$0x4480]  }
0x36: {  	v4 =	vld [tilespmem:s0+$0x4400];
	_ =	sdelay $0x1  }
0x37: {  	v5 =	vld [tilespmem:s0+$0x4500];
	_ =	sdelay $0x1  }
0x38: {  	v6 =	vld [tilespmem:s0+$0x4580]  }
0x39: {  	v7 =	vmul.f32 v3, v3;
	v8 =	vmul.f32 v4, v4;
	v9 =	vadd.f32 v3, v4  }
0x3a: {  	v11 =	vld [tilespmem:s0+$0x4600]  }
0x3b: {  	v12 =	vmul.f32 v5, v5;
	v7 =	vadd.f32 v7, v8;
	v38 =	vadd.f32 v5, v9  }
0x3c: {  	v39 =	vld [tilespmem:s0+$0x4680];
	v10 =	vmax.f32 v4, v3;
	v3 =	vmin.f32 v4, v3  }
0x3d: {  	s2 =	sor.u32 s2, s2;
	v40 =	vmul.f32 v6, v6;
	v7 =	vadd.f32 v12, v7;
	v8 =	vadd.f32 v6, v38  }
0x3e: {  	s2 =	sor.u32 $0x380, s2;
	v41 =	vld [tilespmem:s0+$0x4700];
	v4 =	vmax.f32 v10, v5;
	v3 =	vmin.f32 v3, v5  }
0x3f: {  	v42 =	vld [tilespmem:s2+$0x4400];
	v5 =	vmul.f32 v11, v11;
	v7 =	vadd.f32 v40, v7;
	v8 =	vadd.f32 v11, v8;
	_ =	sdelay $0x1  }
0x40: {  	v45 =	vld [tilespmem:s0+$0x5400];
	v43 =	vmul.f32 v39, v39;
	v5 =	vadd.f32 v5, v7;
	v44 =	vadd.f32 v39, v8;
	_ =	sdelay $0x1  }
0x41: {  	v47 =	vld [tilespmem:s0+$0x5480];
	v46 =	vmul.f32 v41, v41;
	v5 =	vadd.f32 v43, v5;
	v48 =	vadd.f32 v41, v44  }
0x42: {  	v49 =	vmul.f32 v42, v42;
	v4 =	vmax.f32 v4, v6  }
0x43: {  	v50 =	vld [tilespmem:s0+$0x5500];
	v3 =	vmin.f32 v3, v6;
	v5 =	vadd.f32 v46, v5;
	v6 =	vadd.f32 v42, v48  }
0x44: {  	v52 =	vmul.f32 v45, v45;
	v4 =	vmax.f32 v4, v11;
	v3 =	vmin.f32 v3, v11  }
0x45: {  	v51 =	vld [tilespmem:s0+$0x5580];
	v3 =	vmin.f32 v3, v39;
	v5 =	vadd.f32 v49, v5;
	v6 =	vadd.f32 v45, v6  }
0x46: {  	v54 =	vmul.f32 v47, v47;
	v4 =	vmax.f32 v4, v39;
	v3 =	vmin.f32 v3, v41  }
0x47: {  	v53 =	vld [tilespmem:s0+$0x5600];
	v4 =	vmax.f32 v4, v41;
	v5 =	vadd.f32 v52, v5;
	v6 =	vadd.f32 v47, v6  }
0x48: {  	v56 =	vmul.f32 v50, v50;
	v3 =	vmin.f32 v3, v42;
	v4 =	vmax.f32 v4, v42  }
0x49: {  	v55 =	vld [tilespmem:s0+$0x5680];
	v4 =	vmax.f32 v4, v45;
	v5 =	vadd.f32 v54, v5;
	v6 =	vadd.f32 v50, v6  }
0x4a: {  	v58 =	vmul.f32 v51, v51;
	v3 =	vmin.f32 v3, v45;
	v4 =	vmax.f32 v4, v47  }
0x4b: {  	v57 =	vld [tilespmem:s0+$0x5700];
	v3 =	vmin.f32 v3, v47;
	v5 =	vadd.f32 v56, v5;
	v6 =	vadd.f32 v51, v6  }
0x4c: {  	v60 =	vmul.f32 v53, v53;
	v4 =	vmax.f32 v4, v50;
	v3 =	vmin.f32 v3, v50  }
0x4d: {  	v59 =	vld [tilespmem:s0+$0x5780];
	v3 =	vmin.f32 v3, v51;
	v5 =	vadd.f32 v58, v5;
	v6 =	vadd.f32 v53, v6  }
0x4e: {  	v61 =	vmul.f32 v55, v55;
	v4 =	vmax.f32 v4, v51;
	v3 =	vmin.f32 v3, v53  }
0x4f: {  	v4 =	vmax.f32 v4, v53;
	v5 =	vadd.f32 v60, v5;
	v6 =	vadd.f32 v55, v6  }
0x50: {  	s31 =	sshll.u32 s24, $0x8;
	v62 =	vmul.f32 v57, v57;
	v3 =	vmin.f32 v3, v55;
	v4 =	vmax.f32 v4, v55  }
0x51: {  	s26 =	sand.u32 $0x300, s31;
	v4 =	vmax.f32 v4, v57;
	v5 =	vadd.f32 v61, v5;
	v6 =	vadd.f32 v57, v6  }
0x52: {  	s2 =	sor.u32 s26, s0;
	v63 =	vmul.f32 v59, v59;
	v3 =	vmin.f32 v3, v57;
	v4 =	vmax.f32 v4, v59  }
0x53: {  	v3 =	vmin.f32 v3, v59;
	[tilespmem:s2+$0x8400] =	vst v4;
	v4 =	vadd.f32 v62, v5;
	v5 =	vadd.f32 v59, v6  }
0x54: {  	s28 =	simm.s32 $0x10;
	[tilespmem:s2+$0x9400] =	vst v3  }
0x55: {  	s29 =	simm.s32 $0x80;
	s30 =	sand.u32 $0x70, s28;
	s0 =	simm.s32 $0x20;
	v3 =	vadd.f32 v63, v4;
	[tilespmem:s2+$0xA400] =	vst v5  }
.LBB2_3:
0x56: {  	s13 =	sand.u32 $0x70, s0  }
0x57: {  	s14 =	sand.u32 $0xC00, s29;
	s15 =	smov.u32 s0;
	s31 =	sadd.s32 $0x10, s0  }
0x58: {  	p0 =	sne.s32 s0, $0x1F0;
	s0 =	sor.u32 s30, s14;
	[tilespmem:s2+$0xB400] =	vst v3;
	s30 =	smov.u32 s13  }
0x59: {  	v3 =	vld [tilespmem:s0+$0x4480]  }
0x5a: {  	v4 =	vld [tilespmem:s0+$0x4400]  }
0x5b: {  	v5 =	vld [tilespmem:s0+$0x4500];
	_ =	sdelay $0x1  }
0x5c: {  	v6 =	vld [tilespmem:s0+$0x4580]  }
0x5d: {  	v7 =	vmul.f32 v3, v3  }
0x5e: {  	v8 =	vmul.f32 v4, v4;
	v9 =	vmax.f32 v4, v3;
	v10 =	vadd.f32 v3, v4;
	v11 =	vld [tilespmem:s0+$0x4600]  }
0x5f: {  	v3 =	vmin.f32 v4, v3;
	v4 =	vmax.f32 v9, v5;
	v9 =	vmul.f32 v5, v5  }
0x60: {  	v3 =	vmin.f32 v3, v5;
	v7 =	vadd.f32 v7, v8;
	v5 =	vadd.f32 v5, v10;
	v8 =	vld [tilespmem:s0+$0x4680]  }
0x61: {  	v4 =	vmax.f32 v4, v6;
	v3 =	vmin.f32 v3, v6;
	v10 =	vmul.f32 v6, v6  }
0x62: {  	s2 =	sor.u32 s29, s28;
	s28 =	smov.u32 s15;
	v7 =	vadd.f32 v9, v7;
	v5 =	vadd.f32 v6, v5;
	v6 =	vld [tilespmem:s0+$0x4700]  }
0x63: {  	s2 =	sor.u32 $0x380, s2;
	v4 =	vmax.f32 v4, v11;
	v9 =	vmul.f32 v11, v11  }
0x64: {  	v7 =	vadd.f32 v10, v7;
	v5 =	vadd.f32 v11, v5;
	v10 =	vld [tilespmem:s2+$0x4400]  }
0x65: {  	v4 =	vmax.f32 v4, v8;
	v12 =	vmul.f32 v8, v8  }
0x66: {  	v3 =	vmin.f32 v3, v11;
	v7 =	vadd.f32 v9, v7;
	v5 =	vadd.f32 v8, v5;
	v9 =	vld [tilespmem:s0+$0x5400]  }
0x67: {  	v3 =	vmin.f32 v3, v8;
	v4 =	vmax.f32 v4, v6;
	v8 =	vmul.f32 v6, v6;
	v11 =	vld [tilespmem:s0+$0x5480]  }
0x68: {  	v3 =	vmin.f32 v3, v6;
	v7 =	vadd.f32 v12, v7;
	v5 =	vadd.f32 v6, v5;
	v6 =	vld [tilespmem:s0+$0x5500]  }
0x69: {  	v3 =	vmin.f32 v3, v10;
	v12 =	vmul.f32 v10, v10  }
0x6a: {  	v4 =	vmax.f32 v4, v10;
	v7 =	vadd.f32 v8, v7;
	v5 =	vadd.f32 v10, v5;
	v8 =	vld [tilespmem:s0+$0x5580]  }
0x6b: {  	v4 =	vmax.f32 v4, v9;
	v3 =	vmin.f32 v3, v9;
	v10 =	vmul.f32 v9, v9;
	v13 =	vld [tilespmem:s0+$0x5600]  }
0x6c: {  	v7 =	vadd.f32 v12, v7;
	v5 =	vadd.f32 v9, v5;
	v4 =	vmax.f32 v4, v11;
	v9 =	vld [tilespmem:s0+$0x5680]  }
0x6d: {  	v3 =	vmin.f32 v3, v11;
	v12 =	vmul.f32 v11, v11;
	v4 =	vmax.f32 v4, v6  }
0x6e: {  	v3 =	vmin.f32 v3, v6;
	v7 =	vadd.f32 v10, v7;
	v5 =	vadd.f32 v11, v5;
	v10 =	vld [tilespmem:s0+$0x5700]  }
0x6f: {  	v11 =	vmul.f32 v6, v6;
	v4 =	vmax.f32 v4, v8;
	v3 =	vmin.f32 v3, v8;
	v14 =	vld [tilespmem:s0+$0x5780]  }
0x70: {  	v7 =	vadd.f32 v12, v7;
	v5 =	vadd.f32 v6, v5;
	v3 =	vmin.f32 v3, v13  }
0x71: {  	v6 =	vmul.f32 v8, v8;
	v4 =	vmax.f32 v4, v13;
	v3 =	vmin.f32 v3, v9  }
0x72: {  	v4 =	vmax.f32 v4, v9;
	v7 =	vadd.f32 v11, v7;
	v5 =	vadd.f32 v8, v5  }
0x73: {  	v8 =	vmul.f32 v13, v13;
	v4 =	vmax.f32 v4, v10;
	v3 =	vmin.f32 v3, v10  }
0x74: {  	s2 =	sor.u32 s26, s0;
	v6 =	vadd.f32 v6, v7;
	v5 =	vadd.f32 v13, v5;
	v4 =	vmax.f32 v4, v14  }
0x75: {  	v3 =	vmin.f32 v3, v14;
	[tilespmem:s2+$0x8400] =	vst v4  }
0x76: {  	v4 =	vadd.f32 v8, v6;
	v5 =	vadd.f32 v9, v5;
	v6 =	vmul.f32 v9, v9;
	[tilespmem:s2+$0x9400] =	vst v3;
	_ =	sdelay $0x1  }
.Ltmp0:
0x77: {  	v3 =	vadd.f32 v6, v4;
	v4 =	vadd.f32 v10, v5;
	v5 =	vmul.f32 v10, v10;
	(pc) =	sbr.rel @p0 .LBB2_3-.Ltmp0, $3  }
0x78: {  	_ = 	snop  }
0x79: {  	v3 =	vadd.f32 v5, v3;
	v4 =	vadd.f32 v14, v4;
	v5 =	vmul.f32 v14, v14;
	_ =	sdelay $0x1  }
0x7a: {  	s29 =	sadd.s32 $0x80, s29;
	s0 =	smov.u32 s31;
	v3 =	vadd.f32 v5, v3;
	[tilespmem:s2+$0xA400] =	vst v4  }
0x7b: {  	s0 =	sand.u32 $0xC00, s29  }
0x7c: {  	s0 =	sor.u32 s30, s0;
	[tilespmem:s2+$0xB400] =	vst v3  }
0x7d: {  	v3 =	vld [tilespmem:s0+$0x4480]  }
0x7e: {  	v4 =	vld [tilespmem:s0+$0x4400];
	_ =	sdelay $0x1  }
0x7f: {  	v5 =	vld [tilespmem:s0+$0x4500];
	_ =	sdelay $0x1  }
0x80: {  	v6 =	vld [tilespmem:s0+$0x4580]  }
0x81: {  	v10 =	vld [tilespmem:s0+$0x4600];
	v7 =	vmul.f32 v3, v3;
	v8 =	vmul.f32 v4, v4  }
0x82: {  	s14 =	sor.u32 s29, s28;
	v59 =	vld [tilespmem:s0+$0x4680];
	v9 =	vadd.f32 v3, v4  }
0x83: {  	s2 =	sor.u32 $0x380, s14;
	v60 =	vld [tilespmem:s0+$0x4700];
	v11 =	vmul.f32 v5, v5;
	v7 =	vadd.f32 v7, v8  }
0x84: {  	v61 =	vld [tilespmem:s2+$0x4400];
	v58 =	vadd.f32 v5, v9  }
0x85: {  	v15 =	vld [tilespmem:s0+$0x5400];
	v12 =	vmul.f32 v6, v6;
	v7 =	vadd.f32 v11, v7  }
0x86: {  	v17 =	vld [tilespmem:s0+$0x5500];
	v8 =	vadd.f32 v6, v58  }
0x87: {  	v19 =	vld [tilespmem:s0+$0x5580];
	v13 =	vmul.f32 v10, v10;
	v7 =	vadd.f32 v12, v7  }
0x88: {  	v21 =	vld [tilespmem:s0+$0x5600];
	v8 =	vadd.f32 v10, v8  }
0x89: {  	v23 =	vld [tilespmem:s0+$0x5680];
	v14 =	vmul.f32 v59, v59;
	v7 =	vadd.f32 v13, v7  }
0x8a: {  	v25 =	vld [tilespmem:s0+$0x5700];
	v62 =	vmax.f32 v4, v3;
	v8 =	vadd.f32 v59, v8  }
0x8b: {  	v27 =	vld [tilespmem:s0+$0x5780];
	v3 =	vmin.f32 v4, v3;
	v4 =	vmul.f32 v60, v60;
	v7 =	vadd.f32 v14, v7  }
0x8c: {  	v3 =	vmin.f32 v3, v5;
	v13 =	vmax.f32 v62, v5;
	v5 =	vld [tilespmem:s0+$0x5480];
	v8 =	vadd.f32 v60, v8  }
0x8d: {  	v63 =	vmul.f32 v61, v61;
	v18 =	vmul.f32 v15, v15;
	v4 =	vadd.f32 v4, v7  }
0x8e: {  	v22 =	vmul.f32 v17, v17;
	v24 =	vmul.f32 v19, v19;
	v8 =	vadd.f32 v61, v8  }
0x8f: {  	v26 =	vmul.f32 v21, v21;
	v28 =	vmul.f32 v23, v23;
	v4 =	vadd.f32 v63, v4  }
0x90: {  	v29 =	vmul.f32 v25, v25;
	v30 =	vmul.f32 v27, v27;
	v8 =	vadd.f32 v15, v8  }
0x91: {  	v13 =	vmax.f32 v13, v6;
	v20 =	vmul.f32 v5, v5;
	v4 =	vadd.f32 v18, v4  }
0x92: {  	v3 =	vmin.f32 v3, v6;
	v16 =	vmax.f32 v13, v10;
	v8 =	vadd.f32 v5, v8  }
0x93: {  	v3 =	vmin.f32 v3, v10;
	v6 =	vmax.f32 v16, v59;
	v4 =	vadd.f32 v20, v4  }
0x94: {  	v3 =	vmin.f32 v3, v59;
	v6 =	vmax.f32 v6, v60;
	v8 =	vadd.f32 v17, v8  }
0x95: {  	v3 =	vmin.f32 v3, v60;
	v6 =	vmax.f32 v6, v61;
	v4 =	vadd.f32 v22, v4  }
0x96: {  	v3 =	vmin.f32 v3, v61;
	v6 =	vmax.f32 v6, v15;
	v8 =	vadd.f32 v19, v8  }
0x97: {  	v3 =	vmin.f32 v3, v15;
	v6 =	vmax.f32 v6, v5;
	v4 =	vadd.f32 v24, v4  }
0x98: {  	v3 =	vmin.f32 v3, v5;
	v5 =	vmax.f32 v6, v17;
	v8 =	vadd.f32 v21, v8  }
0x99: {  	v3 =	vmin.f32 v3, v17;
	v5 =	vmax.f32 v5, v19;
	v4 =	vadd.f32 v26, v4  }
0x9a: {  	v3 =	vmin.f32 v3, v19;
	v5 =	vmax.f32 v5, v21;
	v8 =	vadd.f32 v23, v8  }
0x9b: {  	v3 =	vmin.f32 v3, v21;
	v5 =	vmax.f32 v5, v23;
	v4 =	vadd.f32 v28, v4  }
0x9c: {  	v3 =	vmin.f32 v3, v23;
	v5 =	vmax.f32 v5, v25;
	v6 =	vadd.f32 v25, v8  }
0x9d: {  	s0 =	sor.u32 s26, s0;
	v3 =	vmin.f32 v3, v25;
	v5 =	vmax.f32 v5, v27;
	v4 =	vadd.f32 v29, v4  }
0x9e: {  	v3 =	vmin.f32 v3, v27;
	[tilespmem:s0+$0x8400] =	vst v5;
	v5 =	vadd.f32 v27, v6  }
0x9f: {  	p0 =	seq.s32 s24, $0x43;
	[tilespmem:s0+$0x9400] =	vst v3;
	v3 =	vadd.f32 v30, v4  }
0xa0: {  	s2 =	sshll.u32 @!p0 s24, $0x8;
	[tilespmem:s0+$0xA400] =	vst v5  }
0xa1: {  	[tilespmem:s0+$0xB400] =	vst v3;
	s0 =	sand.u32 @!p0 $0x3FFFFF00, s2  }
0xa2: {  	v3 =	vld @!p0 [tilespmem:s0+$0x100];
	_ =	sdelay $0x4  }
0xa3: {  	v4 =	vshll.u32 @!p0 v3, $0x2  }
0xa4: {  	v5 =	vlaneseq.u32 @!p0;
	v3 =	vand.u32 @!p0 $0x7, v3;
	v4 =	vand.u32 @!p0 $0xFFFFFFE0, v4  }
0xa5: {  	v6 =	vshrl.u32 @!p0 v5, $0x3;
	v3 =	vor.u32 @!p0 v3, v4;
	v4 =	vand.u32 @!p0 $0x7, v5  }
0xa6: {  	v6 =	vmul.u32 @!p0 $0x8, v6;
	v4 =	vperm.xlane @!p0 v3, v4;
	_ =	sdelay $0x1  }
0xa7: {  	v4 =	vadd.s32 @!p0 v6, v4  }
0xa8: {  	v5 =	vor.u32 @!p0 $0x8, v5  }
0xa9: {  	v3 =	vperm.xlane @!p0 v3, v5;
	_ =	sdelay $0x1  }
0xaa: {  	vm1 =	vmmov @!p0 $0xffff;
	s2 =	simm.s32 @!p0 $0x4400;
	s0 =	simm.s32 @!p0 $0x0;
	v3 =	vadd.s32 @!p0 v6, v3  }
0xab: {  	[tilespmem:s2], [sflag:$0x1] =	stream.indirect_vreg.gather @!p0 [hbm4b:s3+s0], $0x80, v4, vm1, $0xb8;
	[tilespmem:$0xC400] =	vst v63  }
0xac: {  	s2 =	simm.s32 @!p0 $0x4C00  }
0xad: {  	[tilespmem:s2], [sflag:$0x1] =	stream.indirect_vreg.gather @!p0 [hbm4b:s10+s0], $0x80, v4, vm1, $0xb8;
	[tilespmem:$0xC400] =	vst v63  }
0xae: {  	s2 =	simm.s32 @!p0 $0x5400  }
0xaf: {  	[tilespmem:s2], [sflag:$0x1] =	stream.indirect_vreg.gather @!p0 [hbm4b:s3+s0], $0x80, v3, vm1, $0xb8;
	[tilespmem:$0xC400] =	vst v63  }
0xb0: {  	s2 =	simm.s32 @!p0 $0x5C00  }
0xb1: {  	[tilespmem:s2], [sflag:$0x1] =	stream.indirect_vreg.gather @!p0 [hbm4b:s10+s0], $0x80, v3, vm1, $0xb8;
	[tilespmem:$0xC400] =	vst v63  }
0xb2: {  	s15 =	simm.s32 $0x0;
	_ =	swait.ge [sflag:s22], $0x2000  }
0xb3: {  	s26 =	sand.u32 $0x70, s15;
	s0 =	sand.u32 $0xC00, s15;
	[sflag:s22] =	ssyncset.done $0x0  }
0xb4: {  	s0 =	sor.u32 s26, s0;
	[sflag:s22] =	ssyncadd.s32 $0xFFFFE000  }
0xb5: {  	v3 =	vld [tilespmem:s0+$0x6480]  }
0xb6: {  	v4 =	vld [tilespmem:s0+$0x6400];
	_ =	sdelay $0x1  }
0xb7: {  	v5 =	vld [tilespmem:s0+$0x6500];
	_ =	sdelay $0x1  }
0xb8: {  	v31 =	vld [tilespmem:s0+$0x6580]  }
0xb9: {  	v32 =	vmul.f32 v3, v3;
	v33 =	vmul.f32 v4, v4;
	v35 =	vadd.f32 v3, v4  }
0xba: {  	v36 =	vld [tilespmem:s0+$0x6600];
	v34 =	vmin.f32 v4, v3;
	v3 =	vmax.f32 v4, v3  }
0xbb: {  	v37 =	vmul.f32 v5, v5;
	v7 =	vadd.f32 v32, v33;
	v38 =	vadd.f32 v5, v35  }
0xbc: {  	v39 =	vld [tilespmem:s0+$0x6680];
	v4 =	vmin.f32 v34, v5;
	v3 =	vmax.f32 v3, v5  }
0xbd: {  	v5 =	vmul.f32 v31, v31;
	v7 =	vadd.f32 v37, v7;
	v8 =	vadd.f32 v31, v38  }
0xbe: {  	v40 =	vld [tilespmem:s0+$0x6700]  }
0xbf: {  	v42 =	vld [tilespmem:s0+$0x6780];
	v41 =	vmul.f32 v36, v36;
	v5 =	vadd.f32 v5, v7;
	v43 =	vadd.f32 v36, v8;
	_ =	sdelay $0x1  }
0xc0: {  	v44 =	vld [tilespmem:s0+$0x7400];
	v45 =	vmul.f32 v39, v39;
	v5 =	vadd.f32 v41, v5;
	v46 =	vadd.f32 v39, v43;
	_ =	sdelay $0x1  }
0xc1: {  	v47 =	vld [tilespmem:s0+$0x7480];
	v48 =	vmul.f32 v40, v40;
	v5 =	vadd.f32 v45, v5;
	v6 =	vadd.f32 v40, v46  }
0xc2: {  	v50 =	vmul.f32 v42, v42;
	v4 =	vmin.f32 v4, v31  }
0xc3: {  	v49 =	vld [tilespmem:s0+$0x7500];
	v3 =	vmax.f32 v3, v31;
	v5 =	vadd.f32 v48, v5;
	v6 =	vadd.f32 v42, v6  }
0xc4: {  	v52 =	vmul.f32 v44, v44;
	v4 =	vmin.f32 v4, v36;
	v3 =	vmax.f32 v3, v36  }
0xc5: {  	v51 =	vld [tilespmem:s0+$0x7580];
	v3 =	vmax.f32 v3, v39;
	v5 =	vadd.f32 v50, v5;
	v6 =	vadd.f32 v44, v6  }
0xc6: {  	v54 =	vmul.f32 v47, v47;
	v4 =	vmin.f32 v4, v39;
	v3 =	vmax.f32 v3, v40  }
0xc7: {  	v53 =	vld [tilespmem:s0+$0x7600];
	v4 =	vmin.f32 v4, v40;
	v5 =	vadd.f32 v52, v5;
	v6 =	vadd.f32 v47, v6  }
0xc8: {  	v56 =	vmul.f32 v49, v49;
	v3 =	vmax.f32 v3, v42;
	v4 =	vmin.f32 v4, v42  }
0xc9: {  	v55 =	vld [tilespmem:s0+$0x7680];
	v3 =	vmax.f32 v3, v44;
	v5 =	vadd.f32 v54, v5;
	v6 =	vadd.f32 v49, v6  }
0xca: {  	v58 =	vmul.f32 v51, v51;
	v4 =	vmin.f32 v4, v44;
	v3 =	vmax.f32 v3, v47  }
0xcb: {  	v57 =	vld [tilespmem:s0+$0x7700];
	v4 =	vmin.f32 v4, v47;
	v5 =	vadd.f32 v56, v5;
	v6 =	vadd.f32 v51, v6  }
0xcc: {  	v60 =	vmul.f32 v53, v53;
	v4 =	vmin.f32 v4, v49;
	v3 =	vmax.f32 v3, v49  }
0xcd: {  	v59 =	vld [tilespmem:s0+$0x7780];
	v4 =	vmin.f32 v4, v51;
	v5 =	vadd.f32 v58, v5;
	v6 =	vadd.f32 v53, v6  }
0xce: {  	v61 =	vmul.f32 v55, v55;
	v3 =	vmax.f32 v3, v51;
	v4 =	vmin.f32 v4, v53  }
0xcf: {  	v3 =	vmax.f32 v3, v53;
	v5 =	vadd.f32 v60, v5;
	v6 =	vadd.f32 v55, v6  }
0xd0: {  	s26 =	sand.u32 $0x7, s25;
	v62 =	vmul.f32 v57, v57;
	v4 =	vmin.f32 v4, v55;
	v3 =	vmax.f32 v3, v55  }
0xd1: {  	s28 =	sshll.u32 s26, $0x7;
	v4 =	vmin.f32 v4, v57;
	v5 =	vadd.f32 v61, v5;
	v6 =	vadd.f32 v57, v6  }
0xd2: {  	s2 =	sor.u32 s28, s0;
	v63 =	vmul.f32 v59, v59;
	v3 =	vmax.f32 v3, v57;
	v4 =	vmin.f32 v4, v59  }
0xd3: {  	v3 =	vmax.f32 v3, v59;
	[tilespmem:s2+$0x9400] =	vst v4;
	v4 =	vadd.f32 v62, v5;
	v5 =	vadd.f32 v59, v6  }
0xd4: {  	s31 =	simm.s32 $0x10;
	[tilespmem:s2+$0x8400] =	vst v3  }
0xd5: {  	s29 =	sand.u32 $0x70, s31;
	s30 =	simm.s32 $0x80;
	s0 =	simm.s32 $0x20;
	v3 =	vadd.f32 v63, v4;
	[tilespmem:s2+$0xA400] =	vst v5  }
.LBB2_5:
0xd6: {  	s13 =	sand.u32 $0x70, s0  }
0xd7: {  	s14 =	sand.u32 $0xC00, s30;
	s15 =	smov.u32 s0;
	s31 =	sadd.s32 $0x10, s0  }
0xd8: {  	p0 =	sne.s32 s0, $0x1F0;
	s0 =	sor.u32 s29, s14;
	[tilespmem:s2+$0xB400] =	vst v3;
	s29 =	smov.u32 s13  }
0xd9: {  	v3 =	vld [tilespmem:s0+$0x6480]  }
0xda: {  	v4 =	vld [tilespmem:s0+$0x6400]  }
0xdb: {  	v5 =	vld [tilespmem:s0+$0x6500];
	_ =	sdelay $0x1  }
0xdc: {  	v6 =	vld [tilespmem:s0+$0x6580]  }
0xdd: {  	v7 =	vmul.f32 v3, v3  }
0xde: {  	v8 =	vmul.f32 v4, v4;
	v9 =	vmin.f32 v4, v3;
	v10 =	vadd.f32 v3, v4;
	v11 =	vld [tilespmem:s0+$0x6600]  }
0xdf: {  	v3 =	vmax.f32 v4, v3;
	v4 =	vmin.f32 v9, v5;
	v9 =	vmul.f32 v5, v5  }
0xe0: {  	v3 =	vmax.f32 v3, v5;
	v7 =	vadd.f32 v7, v8;
	v5 =	vadd.f32 v5, v10;
	v8 =	vld [tilespmem:s0+$0x6680]  }
0xe1: {  	v4 =	vmin.f32 v4, v6;
	v10 =	vmul.f32 v6, v6;
	v12 =	vld [tilespmem:s0+$0x6780]  }
0xe2: {  	v7 =	vadd.f32 v9, v7;
	v5 =	vadd.f32 v6, v5;
	v9 =	vld [tilespmem:s0+$0x6700]  }
0xe3: {  	v3 =	vmax.f32 v3, v6;
	v4 =	vmin.f32 v4, v11;
	v6 =	vmul.f32 v11, v11;
	v13 =	vld [tilespmem:s0+$0x7400]  }
0xe4: {  	v3 =	vmax.f32 v3, v11;
	v7 =	vadd.f32 v10, v7;
	v5 =	vadd.f32 v11, v5;
	v10 =	vld [tilespmem:s0+$0x7480]  }
0xe5: {  	v3 =	vmax.f32 v3, v8;
	v4 =	vmin.f32 v4, v8;
	v11 =	vmul.f32 v8, v8  }
0xe6: {  	v6 =	vadd.f32 v6, v7;
	v5 =	vadd.f32 v8, v5  }
0xe7: {  	v3 =	vmax.f32 v3, v9;
	v4 =	vmin.f32 v4, v9;
	v7 =	vmul.f32 v9, v9;
	v8 =	vld [tilespmem:s0+$0x7500]  }
0xe8: {  	v6 =	vadd.f32 v11, v6;
	v5 =	vadd.f32 v9, v5;
	v3 =	vmax.f32 v3, v12;
	v9 =	vld [tilespmem:s0+$0x7580]  }
0xe9: {  	v4 =	vmin.f32 v4, v12;
	v11 =	vmul.f32 v12, v12;
	v3 =	vmax.f32 v3, v13;
	v14 =	vld [tilespmem:s0+$0x7600]  }
0xea: {  	v4 =	vmin.f32 v4, v13;
	v6 =	vadd.f32 v7, v6;
	v5 =	vadd.f32 v12, v5;
	v7 =	vld [tilespmem:s0+$0x7680]  }
0xeb: {  	v12 =	vmul.f32 v13, v13;
	v3 =	vmax.f32 v3, v10;
	v4 =	vmin.f32 v4, v10;
	v15 =	vld [tilespmem:s0+$0x7700]  }
0xec: {  	v6 =	vadd.f32 v11, v6;
	v5 =	vadd.f32 v13, v5;
	v4 =	vmin.f32 v4, v8;
	v11 =	vld [tilespmem:s0+$0x7780]  }
0xed: {  	v13 =	vmul.f32 v10, v10;
	v3 =	vmax.f32 v3, v8;
	v4 =	vmin.f32 v4, v9  }
0xee: {  	v6 =	vadd.f32 v12, v6;
	v5 =	vadd.f32 v10, v5;
	v4 =	vmin.f32 v4, v14  }
0xef: {  	v3 =	vmax.f32 v3, v9;
	v10 =	vmul.f32 v8, v8;
	v4 =	vmin.f32 v4, v7  }
0xf0: {  	v6 =	vadd.f32 v13, v6;
	v5 =	vadd.f32 v8, v5;
	v4 =	vmin.f32 v4, v15  }
0xf1: {  	s2 =	sor.u32 s28, s0;
	v3 =	vmax.f32 v3, v14;
	v8 =	vmul.f32 v9, v9;
	v4 =	vmin.f32 v4, v11  }
0xf2: {  	v3 =	vmax.f32 v3, v7;
	v6 =	vadd.f32 v10, v6;
	v5 =	vadd.f32 v9, v5;
	[tilespmem:s2+$0x9400] =	vst v4  }
0xf3: {  	v3 =	vmax.f32 v3, v15;
	v4 =	vmul.f32 v14, v14  }
0xf4: {  	v3 =	vmax.f32 v3, v11;
	v6 =	vadd.f32 v8, v6;
	v5 =	vadd.f32 v14, v5  }
0xf5: {  	v8 =	vmul.f32 v7, v7;
	[tilespmem:s2+$0x8400] =	vst v3  }
0xf6: {  	v3 =	vadd.f32 v4, v6;
	v4 =	vadd.f32 v7, v5;
	_ =	sdelay $0x1  }
.Ltmp1:
0xf7: {  	v5 =	vmul.f32 v15, v15;
	v3 =	vadd.f32 v8, v3;
	v4 =	vadd.f32 v15, v4;
	(pc) =	sbr.rel @p0 .LBB2_5-.Ltmp1, $3  }
0xf8: {  	_ = 	snop  }
0xf9: {  	v3 =	vadd.f32 v5, v3;
	v4 =	vadd.f32 v11, v4;
	v5 =	vmul.f32 v11, v11;
	_ =	sdelay $0x1  }
0xfa: {  	s30 =	sadd.s32 $0x80, s30;
	s0 =	smov.u32 s31;
	v3 =	vadd.f32 v5, v3;
	[tilespmem:s2+$0xA400] =	vst v4  }
0xfb: {  	s0 =	sand.u32 $0xC00, s30  }
0xfc: {  	s0 =	sor.u32 s29, s0;
	[tilespmem:s2+$0xB400] =	vst v3  }
0xfd: {  	v3 =	vld [tilespmem:s0+$0x6480]  }
0xfe: {  	v4 =	vld [tilespmem:s0+$0x6400];
	_ =	sdelay $0x1  }
0xff: {  	v5 =	vld [tilespmem:s0+$0x6500]  }
0x100: {  	v6 =	vld [tilespmem:s0+$0x6580]  }
0x101: {  	v10 =	vld [tilespmem:s0+$0x6600]  }
0x102: {  	v39 =	vld [tilespmem:s0+$0x6680];
	v7 =	vmul.f32 v3, v3;
	v8 =	vmul.f32 v4, v4  }
0x103: {  	v40 =	vld [tilespmem:s0+$0x6700];
	v9 =	vadd.f32 v3, v4  }
0x104: {  	v41 =	vld [tilespmem:s0+$0x6780];
	v11 =	vmul.f32 v5, v5;
	v7 =	vadd.f32 v7, v8  }
0x105: {  	v15 =	vld [tilespmem:s0+$0x7400];
	v38 =	vadd.f32 v5, v9  }
0x106: {  	v44 =	vld [tilespmem:s0+$0x7480];
	v12 =	vmul.f32 v6, v6;
	v7 =	vadd.f32 v11, v7  }
0x107: {  	v47 =	vld [tilespmem:s0+$0x7500];
	v8 =	vadd.f32 v6, v38  }
0x108: {  	v49 =	vld [tilespmem:s0+$0x7580];
	v13 =	vmul.f32 v10, v10;
	v7 =	vadd.f32 v12, v7  }
0x109: {  	v51 =	vld [tilespmem:s0+$0x7600];
	v8 =	vadd.f32 v10, v8  }
0x10a: {  	v53 =	vld [tilespmem:s0+$0x7680];
	v14 =	vmul.f32 v39, v39;
	v7 =	vadd.f32 v13, v7  }
0x10b: {  	v54 =	vld [tilespmem:s0+$0x7700];
	v42 =	vmin.f32 v4, v3;
	v8 =	vadd.f32 v39, v8  }
0x10c: {  	v3 =	vmax.f32 v4, v3;
	v43 =	vmul.f32 v40, v40;
	v7 =	vadd.f32 v14, v7  }
0x10d: {  	v45 =	vmul.f32 v41, v41;
	v48 =	vmul.f32 v15, v15;
	v8 =	vadd.f32 v40, v8  }
0x10e: {  	v50 =	vmul.f32 v44, v44;
	v52 =	vmul.f32 v47, v47;
	v4 =	vadd.f32 v43, v7  }
0x10f: {  	v55 =	vmul.f32 v49, v49;
	v59 =	vmul.f32 v51, v51;
	v8 =	vadd.f32 v41, v8  }
0x110: {  	v60 =	vmul.f32 v53, v53;
	v61 =	vmul.f32 v54, v54;
	v4 =	vadd.f32 v45, v4  }
0x111: {  	v3 =	vmax.f32 v3, v5;
	v13 =	vmin.f32 v42, v5;
	v8 =	vadd.f32 v15, v8  }
0x112: {  	v3 =	vmax.f32 v3, v6;
	v13 =	vmin.f32 v13, v6;
	v4 =	vadd.f32 v48, v4  }
0x113: {  	v3 =	vmax.f32 v3, v10;
	v46 =	vmin.f32 v13, v10;
	v8 =	vadd.f32 v44, v8  }
0x114: {  	v3 =	vmax.f32 v3, v39;
	v6 =	vmin.f32 v46, v39;
	v4 =	vadd.f32 v50, v4  }
0x115: {  	v58 =	vld [tilespmem:s0+$0x7780];
	v3 =	vmax.f32 v3, v40;
	v6 =	vmin.f32 v6, v40;
	v8 =	vadd.f32 v47, v8  }
0x116: {  	v3 =	vmax.f32 v3, v41;
	v6 =	vmin.f32 v6, v41;
	v4 =	vadd.f32 v52, v4  }
0x117: {  	v3 =	vmax.f32 v3, v15;
	v6 =	vmin.f32 v6, v15;
	v57 =	vadd.f32 v49, v8  }
0x118: {  	v3 =	vmax.f32 v3, v44;
	v6 =	vmin.f32 v6, v44;
	v4 =	vadd.f32 v55, v4  }
0x119: {  	v3 =	vmax.f32 v3, v47;
	v56 =	vmin.f32 v6, v47;
	v6 =	vadd.f32 v51, v57  }
0x11a: {  	v62 =	vmul.f32 v58, v58;
	v3 =	vmax.f32 v3, v49;
	v4 =	vadd.f32 v59, v4  }
0x11b: {  	v3 =	vmax.f32 v3, v51;
	v5 =	vmin.f32 v56, v49;
	v6 =	vadd.f32 v53, v6  }
0x11c: {  	v3 =	vmax.f32 v3, v53;
	v5 =	vmin.f32 v5, v51;
	v4 =	vadd.f32 v60, v4  }
0x11d: {  	p0 =	sne.s32 s26, $0x7;
	v3 =	vmax.f32 v3, v54;
	v5 =	vmin.f32 v5, v53;
	v6 =	vadd.f32 v54, v6  }
0x11e: {  	s2 =	sadd.s32 @!p0 s8, s25;
	s0 =	sor.u32 s28, s0;
	v3 =	vmax.f32 v3, v58;
	v5 =	vmin.f32 v5, v54;
	v4 =	vadd.f32 v61, v4  }
0x11f: {  	s2 =	sshll.u32 @!p0 s2, $0x9;
	[tilespmem:s0+$0x8400] =	vst v3;
	v5 =	vmin.f32 v5, v58;
	v63 =	vadd.f32 v58, v6  }
0x120: {  	s2 =	sadd.s32 @!p0 $0xFFFFF200, s2;
	[tilespmem:s0+$0x9400] =	vst v5;
	v3 =	vadd.f32 v62, v4  }
0x121: {  	s2 =	sshrl.u32 @!p0 s2, $0x3;
	[tilespmem:s0+$0xA400] =	vst v63  }
0x122: {  	s13 =	simm.s32 @!p0 $0x0;
	s14 =	simm.s32 @!p0 $0x8400;
	[tilespmem:s0+$0xB400] =	vst v3;
	s0 =	sadd.s32 @!p0 s4, s2  }
0x123: {  	[hbm4b:s0+s13] =	stream.linear.scatter @!p0 [tilespmem:s14], [sflag:$0x4], $0x1000, $0x38;
	[tilespmem:$0xC400] =	vst v63  }
0x124: {  	s0 =	simm.s32 @!p0 $0x4  }
0x125: {  	_ =	swait.ge @!p0 [sflag:s0], $0x1000  }
0x126: {  	[sflag:s0] =	ssyncset.done @!p0 $0x0  }
0x127: {  	s15 =	simm.s32 @!p0 $0x9400;
	s14 =	sadd.s32 @!p0 s5, s2;
	[sflag:s0] =	ssyncadd.s32 @!p0 $0xFFFFF000  }
0x128: {  	[hbm4b:s14+s13] =	stream.linear.scatter @!p0 [tilespmem:s15], [sflag:$0x4], $0x1000, $0x38;
	[tilespmem:$0xC400] =	vst v63  }
0x129: {  	_ =	swait.ge @!p0 [sflag:s0], $0x1000  }
0x12a: {  	[sflag:s0] =	ssyncset.done @!p0 $0x0  }
0x12b: {  	s14 =	sadd.s32 @!p0 s6, s2;
	s15 =	simm.s32 @!p0 $0xA400;
	[sflag:s0] =	ssyncadd.s32 @!p0 $0xFFFFF000  }
0x12c: {  	[hbm4b:s14+s13] =	stream.linear.scatter @!p0 [tilespmem:s15], [sflag:$0x4], $0x1000, $0x38;
	[tilespmem:$0xC400] =	vst v63  }
0x12d: {  	s24 =	sadd.s32 $0x1, s24;
	_ =	swait.ge @!p0 [sflag:s0], $0x1000  }
0x12e: {  	p1 =	sne.s32 s24, $0x44;
	[sflag:s0] =	ssyncset.done @!p0 $0x0  }
0x12f: {  	[sflag:s0] =	ssyncadd.s32 @!p0 $0xFFFFF000;
	s0 =	sadd.s32 @!p0 s7, s2;
	s2 =	simm.s32 @!p0 $0xB400  }
0x130: {  	[hbm4b:s0+s13] =	stream.linear.scatter @!p0 [tilespmem:s2], [sflag:$0x3], $0x1000, $0x38;
	[tilespmem:$0xC400] =	vst v63  }
.Ltmp2:
0x131: {  	_ = 	snop;
	(pc) =	sbr.rel @p1 .LBB2_2-.Ltmp2, $4  }
0x132: {  	s0 =	simm.s32 @!p0 $0x3  }
0x133: {  	_ =	swait.ge @!p0 [sflag:s0], $0x1000  }
0x134: {  	[sflag:s0] =	ssyncset.done @!p0 $0x0  }
0x135: {  	[sflag:s0] =	ssyncadd.s32 @!p0 $0xFFFFF000  }
0x136: {  	s23 =	sadd.s32 $0x1, s23  }
0x137: {  	p0 =	sne.s32 s23, s11  }
.Ltmp3:
0x138: {  	_ = 	snop;
	(pc) =	sbr.rel @p0 .LBB2_1-.Ltmp3, $1  }
0x139: {  	_ =	sdelay $0x3  }
0x13a: {  	_ =	sfence.sel $0x180000  }
0x13b: {  	[bflag:$0x0] =	sbarrier.arrive $0xFFFF  }
0x13c: {  	_ =	strace $0x90000047  }
0x13d: {  	s0 =	stileid.u32;
	[bflag:$0x2] =	sbarrier.arrive $0xFFFF  }
0x13e: {  	p0 =	sne.s32 s0, $0x0;
	s0 =	rddreg [dreg:$0x2]  }
0x13f: {  	s0 =	sadd.s32 @!p0 $0x100000, s0  }
0x140: {  	[sflag:s0] =	ssyncadd.tile.s32 @!p0 $0x1;
	_ =	shalt  }
.Lfunc_end2:
_tile_overlayer_lowered:
.L_overlay_start_2:
0x141: {  	(tag) =	ssettag $0x2  }
0x142: {  	s0 =	rddreg [dreg:$0x0];
	s2 =	stileid.u32  }
0x143: {  	s1 =	rddreg [dreg:$0x1];
	p0 =	sne.s32 s2, $0x0  }
0x144: {  	s3 =	rddreg [dreg:$0x2];
	[bflag:$0x3] =	sbarrier.arrive $0xFFFF;
	s2 =	simm.s32 @!p0 $0x1C03  }
0x145: {  	[timem:s3], [sflag:s2] =	dma.local @!p0 [hbm:s0], s1  }
0x146: {  	s0 =	simm.s32 @!p0 $0x3  }
0x147: {  	_ =	swait.ge @!p0 [sflag:s0], s1  }
0x148: {  	s1 =	ssub.s32 @!p0 $0x0, s1;
	[sflag:s0] =	ssyncset.done @!p0 $0x0  }
0x149: {  	[sflag:s0] =	ssyncadd.s32 @!p0 s1  }
0x14a: {  	[bflag:$0x3] =	sbarrier.arrive $0xFFFF  }
0x14b: {  	_ =	shalt  }

</sc_bundles>
